<compile_context>
chip_gen: v7x
topology: tpu7x:2x2x1
jax: 0.10.2.dev20260603
libtpu: 0.0.44.dev20260713+nightly
codegen_flags: <defaults>
</compile_context>

<pallas_src>
import functools
import math

import jax
import jax.numpy as jnp
from jax import lax
from jax.experimental import pallas as pl
from jax.experimental.pallas import tpu as pltpu
from jax.experimental.pallas import tpu_sc as plsc

_H = 8
_DK = 16
_NC = 2
_NS = 16
_NW = _NC * _NS
_BLK = 40
_LANES = 16


def _proj_body(h_ref, w_ref, b_ref, o_ref):
    o_ref[...] = (
        jnp.dot(h_ref[...], w_ref[...], preferred_element_type=jnp.float32)
        + b_ref[...]
    )


def _project(h, w_eff, b_eff, rows):
    n, d = h.shape
    dout = w_eff.shape[1]
    return pl.pallas_call(
        _proj_body,
        grid=(n // rows,),
        in_specs=[
            pl.BlockSpec((rows, d), lambda i: (i, 0)),
            pl.BlockSpec((d, dout), lambda i: (0, 0)),
            pl.BlockSpec((1, dout), lambda i: (0, 0)),
        ],
        out_specs=pl.BlockSpec((rows, dout), lambda i: (i, 0)),
        out_shape=jax.ShapeDtypeStruct((n, dout), jnp.float32),
    )(h, w_eff, b_eff)


def _sc_edge_body(n, e, d, tw, epw, nblk, rps,
                  q_hbm, k_hbm, v_hbm, src_hbm, dst_hbm, out_hbm,
                  sidx, didx, qd, ks, vs, contrib, zbuf, table,
                  sem_q, sem_k, sem_v):
    c = lax.axis_index("c")
    s = lax.axis_index("s")
    wid = s * _NC + c

    def zb_body(i, _):
        r = i // (tw // _LANES)
        col = (i % (tw // _LANES)) * _LANES
        zbuf[r, pl.ds(col, _LANES)] = jnp.zeros((_LANES,), jnp.float32)
        return 0
    zrows = zbuf.shape[0]
    lax.fori_loop(0, zrows * (tw // _LANES), zb_body, 0)

    def zt_body(j, _):
        pltpu.sync_copy(zbuf, table.at[pl.ds(s * rps + j * zrows, zrows)])
        return 0
    lax.fori_loop(0, rps // zrows, zt_body, 0)
    plsc.subcore_barrier()

    lanes = lax.broadcasted_iota(jnp.int32, (_LANES,), 0)

    def blk_body(b, _):
        base = wid * epw + b * _BLK
        pltpu.sync_copy(src_hbm.at[pl.ds(base, _BLK)], sidx)
        pltpu.sync_copy(dst_hbm.at[pl.ds(base, _BLK)], didx)
        cq = pltpu.async_copy(q_hbm.at[didx], qd, sem_q)
        ck = pltpu.async_copy(k_hbm.at[sidx], ks, sem_k)
        cv = pltpu.async_copy(v_hbm.at[sidx], vs, sem_v)
        cq.wait()
        ck.wait()
        cv.wait()

        def edge_body(ei, _):
            ss = jnp.zeros((_LANES,), jnp.float32)
            for hh in range(_H):
                qv = qd[ei, pl.ds(hh * _DK, _DK)]
                kv = ks[ei, pl.ds(hh * _DK, _DK)]
                sc = jnp.sum(qv * kv)
                ex = jnp.exp(jnp.broadcast_to(sc, (_LANES,)))
                contrib[ei, pl.ds(hh * _DK, _DK)] = (
                    vs[ei, pl.ds(hh * _DK, _DK)] * ex
                )
                ss = jnp.where(lanes == hh, ex, ss)
            contrib[ei, pl.ds(d, _LANES)] = ss
            return 0

        lax.fori_loop(0, _BLK, edge_body, 0)
        pltpu.sync_copy(contrib, table.at[didx], add=True)
        return 0

    lax.fori_loop(0, nblk, blk_body, 0)
    plsc.subcore_barrier()

    def out_body(j, _):
        start = s * rps + j * zrows
        pltpu.sync_copy(table.at[pl.ds(start, zrows)],
                        out_hbm.at[c, pl.ds(start, zrows)])
        return 0
    lax.fori_loop(0, rps // zrows, out_body, 0)


def _sc_edge(q, k, v, src, dst, tw, zrows):
    n, d = q.shape
    e = src.shape[0]
    epw = e // _NW
    nblk = epw // _BLK
    rps = n // _NS
    mesh = plsc.VectorSubcoreMesh(core_axis_name="c", subcore_axis_name="s",
                                  num_cores=_NC, num_subcores=_NS)
    body = functools.partial(_sc_edge_body, n, e, d, tw, epw, nblk, rps)
    f = pl.kernel(
        body,
        out_type=jax.ShapeDtypeStruct((_NC, n, tw), jnp.float32),
        mesh=mesh,
        scratch_types=[
            pltpu.VMEM((_BLK,), jnp.int32),
            pltpu.VMEM((_BLK,), jnp.int32),
            pltpu.VMEM((_BLK, d), jnp.float32),
            pltpu.VMEM((_BLK, d), jnp.float32),
            pltpu.VMEM((_BLK, d), jnp.float32),
            pltpu.VMEM((_BLK, tw), jnp.float32),
            pltpu.VMEM((zrows, tw), jnp.float32),
            pltpu.VMEM_SHARED((n, tw), jnp.float32),
            pltpu.SemaphoreType.DMA,
            pltpu.SemaphoreType.DMA,
            pltpu.SemaphoreType.DMA,
        ],
        compiler_params=pltpu.CompilerParams(use_tc_tiling_on_sc=False, needs_layout_passes=False),
    )
    return f(q, k, v, src, dst)


def _final_body(num_ref, den_ref, h_ref, wa_ref, ba_ref, rsel_ref, mix_ref,
                o_ref):
    num = num_ref[0] + num_ref[1]
    den = den_ref[0] + den_ref[1]
    den = jnp.where(den == 0.0, 1.0, den)
    den_rep = jnp.dot(den, rsel_ref[...], preferred_element_type=jnp.float32)
    tdiv = num / den_rep
    out = (
        jnp.dot(tdiv, wa_ref[...], preferred_element_type=jnp.float32)
        + ba_ref[...]
    )
    beta = mix_ref[0, 0]
    o_ref[...] = out + h_ref[...] * beta


def _finalize(num_t, den_t, h, wa_a, ba_a, rsel, bmix, rows):
    n, d = h.shape
    nh = den_t.shape[2]
    return pl.pallas_call(
        _final_body,
        grid=(n // rows,),
        in_specs=[
            pl.BlockSpec((2, rows, d), lambda i: (0, i, 0)),
            pl.BlockSpec((2, rows, nh), lambda i: (0, i, 0)),
            pl.BlockSpec((rows, d), lambda i: (i, 0)),
            pl.BlockSpec((d, d), lambda i: (0, 0)),
            pl.BlockSpec((1, d), lambda i: (0, 0)),
            pl.BlockSpec((nh, d), lambda i: (0, 0)),
            pl.BlockSpec((1, 1), lambda i: (0, 0)),
        ],
        out_specs=pl.BlockSpec((rows, d), lambda i: (i, 0)),
        out_shape=jax.ShapeDtypeStruct((n, d), jnp.float32),
    )(num_t, den_t, h, wa_a, ba_a, rsel, bmix)


def kernel(h, edge_index, Wk, bk, Wq, bq, Wv, bv, Wa, ba,
           rel_att, rel_msg, rel_pri, skip):
    n, d = h.shape
    hh, dk = rel_att.shape[0], rel_att.shape[1]
    sqrt_dk = math.sqrt(dk)

    eye_h = jnp.eye(hh, dtype=jnp.float32)
    bd_att = jnp.einsum('hij,hg->higj', rel_att, eye_h).reshape(d, d)
    bd_msg = jnp.einsum('hij,hg->higj', rel_msg, eye_h).reshape(d, d)
    qscale = jnp.repeat(rel_pri / sqrt_dk, dk)
    w_eff = jnp.concatenate(
        [Wq * qscale[None, :], Wk @ bd_att, Wv @ bd_msg], axis=1)
    b_eff = jnp.concatenate(
        [bq * qscale, bk @ bd_att, bv @ bd_msg])[None, :]

    qkv = _project(h, w_eff, b_eff, rows=2000)
    q = qkv[:, :d]
    kp = qkv[:, d:2 * d]
    vp = qkv[:, 2 * d:]

    src = edge_index[0]
    dst = edge_index[1]
    tw = d + _LANES
    tab = _sc_edge(q, kp, vp, src, dst, tw, zrows=25)

    num_t = tab[:, :, :d]
    den_t = tab[:, :, d:d + hh]
    alpha = jax.nn.sigmoid(skip)
    rsel = jnp.repeat(jnp.eye(hh, dtype=jnp.float32), dk, axis=1)
    wa_a = Wa * alpha
    ba_a = (ba * alpha)[None, :]
    bmix = jnp.full((1, 1), 1.0 - alpha, dtype=jnp.float32)
    return _finalize(num_t, den_t, h, wa_a, ba_a, rsel, bmix, rows=2000)

# --- scband reference (transcript-rebuilt; emitter-appended) ---
"""Pipeline reference for scband-hgtlayer-35682588295606 (READ-ONLY COPY).

The authoritative reference and input builder live on the scoring server;
editing this copy changes nothing except your own understanding.
"""

import jax, jax.numpy as jnp
import numpy as np
import math

N = 10000
E = 320000
IN_DIM = 128
OUT_DIM = 128
H = 8
DK = OUT_DIM // H
SQRT_DK = math.sqrt(DK)


def setup_inputs(seed: int = 0) -> dict:
    key = jax.random.key(seed)
    ks = jax.random.split(key, 16)
    h = jax.random.normal(ks[0], (N, IN_DIM), dtype=jnp.float32)
    edge_index = jax.random.randint(ks[1], (2, E), 0, N, dtype=jnp.int32)
    lin_scale = 1.0 / math.sqrt(IN_DIM)
    Wk = jax.random.normal(ks[2], (IN_DIM, OUT_DIM), dtype=jnp.float32) * lin_scale
    bk = jnp.zeros((OUT_DIM,), dtype=jnp.float32)
    Wq = jax.random.normal(ks[3], (IN_DIM, OUT_DIM), dtype=jnp.float32) * lin_scale
    bq = jnp.zeros((OUT_DIM,), dtype=jnp.float32)
    Wv = jax.random.normal(ks[4], (IN_DIM, OUT_DIM), dtype=jnp.float32) * lin_scale
    bv = jnp.zeros((OUT_DIM,), dtype=jnp.float32)
    Wa = jax.random.normal(ks[5], (OUT_DIM, OUT_DIM), dtype=jnp.float32) * (1.0 / math.sqrt(OUT_DIM))
    ba = jnp.zeros((OUT_DIM,), dtype=jnp.float32)
    # xavier uniform for relation tensors (fan_in = fan_out = DK)
    bound = math.sqrt(6.0 / (DK + DK))
    rel_att = jax.random.uniform(ks[6], (H, DK, DK), dtype=jnp.float32, minval=-bound, maxval=bound)
    rel_msg = jax.random.uniform(ks[7], (H, DK, DK), dtype=jnp.float32, minval=-bound, maxval=bound)
    rel_pri = jnp.ones((H,), dtype=jnp.float32)
    skip = jnp.ones((), dtype=jnp.float32)
    return {
        'h': h, 'edge_index': edge_index,
        'Wk': Wk, 'bk': bk, 'Wq': Wq, 'bq': bq, 'Wv': Wv, 'bv': bv,
        'Wa': Wa, 'ba': ba,
        'rel_att': rel_att, 'rel_msg': rel_msg, 'rel_pri': rel_pri, 'skip': skip,
    }


def reference(h, edge_index, Wk, bk, Wq, bq, Wv, bv, Wa, ba, rel_att, rel_msg, rel_pri, skip):
    src = edge_index[0]
    dst = edge_index[1]
    # per-type K/Q/V projections (single node type)
    k = (h @ Wk + bk).reshape(N, H, DK)
    q = (h @ Wq + bq).reshape(N, H, DK)
    v = (h @ Wv + bv).reshape(N, H, DK)
    # relation-specific transforms (single edge type, e_id = 0)
    k = jnp.einsum('bij,ijk->bik', k, rel_att)
    v = jnp.einsum('bij,ijk->bik', v, rel_msg)
    # apply_edges(fn.v_dot_u('q','k','t')).sum(-1) * relation_pri / sqrt_dk
    score = jnp.sum(q[dst] * k[src], axis=-1) * rel_pri / SQRT_DK  # [E, H]
    # edge_softmax normalized by dst
    smax = jax.ops.segment_max(score, dst, num_segments=N)
    smax = jnp.where(jnp.isfinite(smax), smax, 0.0)
    ex = jnp.exp(score - smax[dst])
    ssum = jax.ops.segment_sum(ex, dst, num_segments=N)
    denom = ssum[dst]
    attn = ex / jnp.where(denom == 0.0, 1.0, denom)  # [E, H]
    # u_mul_e('v','t','m') then fn.sum('m','t'); single etype so cross_reducer mean = identity
    m = v[src] * attn[:, :, None]  # [E, H, DK]
    t = jax.ops.segment_sum(m, dst, num_segments=N).reshape(N, OUT_DIM)
    # target-specific aggregation (dropout p=0 -> identity)
    trans_out = t @ Wa + ba
    alpha = jax.nn.sigmoid(skip)
    out = trans_out * alpha + h * (1.0 - alpha)
    return out

if __name__ == "__main__":
    import jax
    _d = setup_inputs()
    print(jax.jit(kernel)(*tuple(_d.values())))

</pallas_src>

<mosaic_0001>
#map = affine_map<(d0, d1) -> (0, 0)>
#map1 = affine_map<(d0, d1) -> (0)>
#map2 = affine_map<(d0, d1) -> (0, 0, 0)>
module attributes {stable_mosaic.version = 14 : i64} {
  func.func @_sc_edge_body(%arg0: i32, %arg1: i32, %arg2: memref<10000x128xf32, #tpu.memory_space<hbm>>, %arg3: memref<10000x128xf32, #tpu.memory_space<hbm>>, %arg4: memref<10000x128xf32, #tpu.memory_space<hbm>>, %arg5: memref<320000xi32, #tpu.memory_space<hbm>>, %arg6: memref<320000xi32, #tpu.memory_space<hbm>>, %arg7: memref<2x10000x144xf32, #tpu.memory_space<hbm>>, %arg8: memref<40xi32, #tpu.memory_space<vmem>>, %arg9: memref<40xi32, #tpu.memory_space<vmem>>, %arg10: memref<40x128xf32, #tpu.memory_space<vmem>>, %arg11: memref<40x128xf32, #tpu.memory_space<vmem>>, %arg12: memref<40x128xf32, #tpu.memory_space<vmem>>, %arg13: memref<40x144xf32, #tpu.memory_space<vmem>>, %arg14: memref<25x144xf32, #tpu.memory_space<vmem>>, %arg15: memref<10000x144xf32, #tpu.memory_space<vmem_shared>>, %arg16: memref<!tpu.dma_semaphore, #tpu.memory_space<semaphore_mem>>, %arg17: memref<!tpu.dma_semaphore, #tpu.memory_space<semaphore_mem>>, %arg18: memref<!tpu.dma_semaphore, #tpu.memory_space<semaphore_mem>>) attributes {dimension_semantics = [#tpu.dimension_semantics<core_parallel>, #tpu.dimension_semantics<subcore_parallel>], iteration_bounds = array<i64: 2, 16>, scalar_prefetch = 0 : i64, scratch_operands = 11 : i64, tpu.core_type = #tpu.core_type<sc_vector_subcore>, window_params = [{transform_indices = #map}, {transform_indices = #map}, {transform_indices = #map}, {transform_indices = #map1}, {transform_indices = #map1}, {transform_indices = #map2}]} {
    %mul3A = arith.constant 2 : i32
    %mul3A_0 = arith.muli %arg1, %mul3A : i32
    %add3A = arith.addi %mul3A_0, %arg0 : i32
    %scan3A = arith.constant 0 : i32
    %scan3A_1 = arith.constant 0 : i32
    %scan3A_2 = arith.constant 225 : i32
    %scan3A_3 = arith.addi %scan3A_1, %scan3A_2 : i32
    %scan3A_4 = arith.constant 1 : i32
    %scan3A_5 = scf.for %scan3A_29 = %scan3A_1 to %scan3A_3 step %scan3A_4 iter_args(%scan3A_30 = %scan3A) -> (i32)  : i32 {
      %jit3A = arith.constant 9 : i32
      %div3A = arith.divsi %scan3A_29, %jit3A : i32
      %sign3A = arith.constant 0 : i32
      %sign3A_31 = arith.cmpi sgt, %scan3A_29, %sign3A : i32
      %sign3A_32 = arith.extui %sign3A_31 : i1 to i32
      %sign3A_33 = arith.constant 0 : i32
      %sign3A_34 = arith.cmpi slt, %scan3A_29, %sign3A_33 : i32
      %sign3A_35 = arith.extui %sign3A_34 : i1 to i32
      %sign3A_36 = arith.subi %sign3A_32, %sign3A_35 : i32
      %sign3A_37 = arith.constant 0 : i32
      %sign3A_38 = arith.cmpi sgt, %jit3A, %sign3A_37 : i32
      %sign3A_39 = arith.extui %sign3A_38 : i1 to i32
      %sign3A_40 = arith.constant 0 : i32
      %sign3A_41 = arith.cmpi slt, %jit3A, %sign3A_40 : i32
      %sign3A_42 = arith.extui %sign3A_41 : i1 to i32
      %sign3A_43 = arith.subi %sign3A_39, %sign3A_42 : i32
      %ne3A = arith.cmpi ne, %sign3A_36, %sign3A_43 : i32
      %rem3A = arith.remsi %scan3A_29, %jit3A : i32
      %ne3A_44 = arith.constant 0 : i32
      %ne3A_45 = arith.cmpi ne, %rem3A, %ne3A_44 : i32
      %and3A = arith.andi %ne3A, %ne3A_45 : i1
      %sub3A = arith.constant 1 : i32
      %sub3A_46 = arith.subi %div3A, %sub3A : i32
      %select_n3A = arith.select %and3A, %sub3A_46, %div3A : i32
      %jit3A_47 = arith.constant 9 : i32
      %eq3A = arith.constant 0 : i32
      %eq3A_48 = arith.cmpi eq, %jit3A_47, %eq3A : i32
      %jit3A_49 = arith.constant 1 : i32
      %select_n3A_50 = arith.select %eq3A_48, %jit3A_49, %jit3A_47 : i32
      %rem3A_51 = arith.remsi %scan3A_29, %select_n3A_50 : i32
      %ne3A_52 = arith.constant 0 : i32
      %ne3A_53 = arith.cmpi ne, %rem3A_51, %ne3A_52 : i32
      %lt3A = arith.constant 0 : i32
      %lt3A_54 = arith.cmpi slt, %rem3A_51, %lt3A : i32
      %lt3A_55 = arith.constant 0 : i32
      %lt3A_56 = arith.cmpi slt, %select_n3A_50, %lt3A_55 : i32
      %ne3A_57 = arith.xori %lt3A_54, %lt3A_56 : i1
      %and3A_58 = arith.andi %ne3A_57, %ne3A_53 : i1
      %add3A_59 = arith.addi %rem3A_51, %select_n3A_50 : i32
      %select_n3A_60 = arith.select %and3A_58, %add3A_59, %rem3A_51 : i32
      %mul3A_61 = arith.constant 16 : i32
      %mul3A_62 = arith.muli %select_n3A_60, %mul3A_61 : i32
      %broadcast_in_dim3A = arith.constant 0.000000e+00 : f32
      %broadcast_in_dim3A_63 = vector.broadcast %broadcast_in_dim3A : f32 to vector<16xf32>
      %swap3A = arith.index_cast %select_n3A : i32 to index
      %swap3A_64 = arith.index_cast %mul3A_62 : i32 to index
      %swap3A_65 = tpu.vector_load %arg14[%swap3A, %swap3A_64] {strides = array<i32>} : memref<25x144xf32, #tpu.memory_space<vmem>>, vector<16xf32>,
      tpu.vector_store %arg14[%swap3A, %swap3A_64], %broadcast_in_dim3A_63 {strides = array<i32>} : memref<25x144xf32, #tpu.memory_space<vmem>>, vector<16xf32>,
      %scan3A_66 = arith.constant 0 : i32
      scf.yield %scan3A_66 : i32
    }
    %scan3A_6 = arith.constant 225 : i32
    %scan3A_7 = arith.constant 0 : i32
    %scan3A_8 = arith.constant 0 : i32
    %scan3A_9 = arith.constant 25 : i32
    %scan3A_10 = arith.addi %scan3A_8, %scan3A_9 : i32
    %scan3A_11 = arith.constant 1 : i32
    %scan3A_12 = scf.for %scan3A_29 = %scan3A_8 to %scan3A_10 step %scan3A_11 iter_args(%scan3A_30 = %scan3A_7) -> (i32)  : i32 {
      %mul3A_31 = arith.constant 625 : i32
      %mul3A_32 = arith.muli %arg1, %mul3A_31 : i32
      %mul3A_33 = arith.constant 25 : i32
      %mul3A_34 = arith.muli %scan3A_29, %mul3A_33 : i32
      %add3A_35 = arith.addi %mul3A_32, %mul3A_34 : i32
      "tpu.region"() ({
        %run_scoped3A = tpu.sem_alloc : memref<!tpu.dma_semaphore, #tpu.memory_space<semaphore_mem>>
        %dma_start3A = arith.constant 0 : i32
        %dma_start3A_37 = tpu.memref_slice %arg15[%add3A_35, %dma_start3A] : memref<10000x144xf32, #tpu.memory_space<vmem_shared>> -> memref<25x144xf32, #tpu.memory_space<vmem_shared>>
        %dma_start3A_38 = arith.constant 0 : i32
        %dma_start3A_39 = tpu.memref_slice %arg15[%add3A_35, %dma_start3A_38] : memref<10000x144xf32, #tpu.memory_space<vmem_shared>> -> memref<25x144xf32, #tpu.memory_space<vmem_shared>>
        tpu.enqueue_dma source(%arg14 : memref<25x144xf32, #tpu.memory_space<vmem>>) target(%dma_start3A_39 : memref<25x144xf32, #tpu.memory_space<vmem_shared>>) target_semaphore(%run_scoped3A : memref<!tpu.dma_semaphore, #tpu.memory_space<semaphore_mem>>)
        %dma_wait3A = arith.constant 0 : i32
        %dma_wait3A_40 = tpu.memref_slice %arg15[%add3A_35, %dma_wait3A] : memref<10000x144xf32, #tpu.memory_space<vmem_shared>> -> memref<25x144xf32, #tpu.memory_space<vmem_shared>>
        %dma_wait3A_41 = arith.constant 0 : i32
        %dma_wait3A_42 = tpu.memref_slice %arg15[%add3A_35, %dma_wait3A_41] : memref<10000x144xf32, #tpu.memory_space<vmem_shared>> -> memref<25x144xf32, #tpu.memory_space<vmem_shared>>
        tpu.wait_dma2 semaphore(%run_scoped3A : memref<!tpu.dma_semaphore, #tpu.memory_space<semaphore_mem>>) src(%arg14 : memref<25x144xf32, #tpu.memory_space<vmem>>) dst(%dma_wait3A_42 : memref<25x144xf32, #tpu.memory_space<vmem_shared>>)
        tpu.yield
      }) : () -> ()
      %scan3A_36 = arith.constant 0 : i32
      scf.yield %scan3A_36 : i32
    }
    %scan3A_13 = arith.constant 25 : i32
    %barrier3A = arith.constant 0 : index
    tpu.barrier barrier_id(%barrier3A)
    %iota3A = tpu.iota {dimensions = array<i32: 0>} : vector<16xi32>
    %scan3A_14 = arith.constant 0 : i32
    %scan3A_15 = arith.constant 0 : i32
    %scan3A_16 = arith.constant 250 : i32
    %scan3A_17 = arith.addi %scan3A_15, %scan3A_16 : i32
    %scan3A_18 = arith.constant 1 : i32
    %scan3A_19 = scf.for %scan3A_29 = %scan3A_15 to %scan3A_17 step %scan3A_18 iter_args(%scan3A_30 = %scan3A_14) -> (i32)  : i32 {
      %mul3A_31 = arith.constant 10000 : i32
      %mul3A_32 = arith.muli %add3A, %mul3A_31 : i32
      %mul3A_33 = arith.constant 40 : i32
      %mul3A_34 = arith.muli %scan3A_29, %mul3A_33 : i32
      %add3A_35 = arith.addi %mul3A_32, %mul3A_34 : i32
      "tpu.region"() ({
        %run_scoped3A = tpu.sem_alloc : memref<!tpu.dma_semaphore, #tpu.memory_space<semaphore_mem>>
        %dma_start3A_60 = tpu.memref_slice %arg5[%add3A_35] : memref<320000xi32, #tpu.memory_space<hbm>> -> memref<40xi32, #tpu.memory_space<hbm>>
        %dma_start3A_61 = tpu.memref_slice %arg5[%add3A_35] : memref<320000xi32, #tpu.memory_space<hbm>> -> memref<40xi32, #tpu.memory_space<hbm>>
        tpu.enqueue_dma source(%dma_start3A_61 : memref<40xi32, #tpu.memory_space<hbm>>) target(%arg8 : memref<40xi32, #tpu.memory_space<vmem>>) target_semaphore(%run_scoped3A : memref<!tpu.dma_semaphore, #tpu.memory_space<semaphore_mem>>)
        %dma_wait3A_62 = tpu.memref_slice %arg5[%add3A_35] : memref<320000xi32, #tpu.memory_space<hbm>> -> memref<40xi32, #tpu.memory_space<hbm>>
        %dma_wait3A_63 = tpu.memref_slice %arg5[%add3A_35] : memref<320000xi32, #tpu.memory_space<hbm>> -> memref<40xi32, #tpu.memory_space<hbm>>
        tpu.wait_dma2 semaphore(%run_scoped3A : memref<!tpu.dma_semaphore, #tpu.memory_space<semaphore_mem>>) src(%dma_wait3A_63 : memref<40xi32, #tpu.memory_space<hbm>>) dst(%arg8 : memref<40xi32, #tpu.memory_space<vmem>>)
        tpu.yield
      }) : () -> ()
      "tpu.region"() ({
        %run_scoped3A = tpu.sem_alloc : memref<!tpu.dma_semaphore, #tpu.memory_space<semaphore_mem>>
        %dma_start3A_60 = tpu.memref_slice %arg6[%add3A_35] : memref<320000xi32, #tpu.memory_space<hbm>> -> memref<40xi32, #tpu.memory_space<hbm>>
        %dma_start3A_61 = tpu.memref_slice %arg6[%add3A_35] : memref<320000xi32, #tpu.memory_space<hbm>> -> memref<40xi32, #tpu.memory_space<hbm>>
        tpu.enqueue_dma source(%dma_start3A_61 : memref<40xi32, #tpu.memory_space<hbm>>) target(%arg9 : memref<40xi32, #tpu.memory_space<vmem>>) target_semaphore(%run_scoped3A : memref<!tpu.dma_semaphore, #tpu.memory_space<semaphore_mem>>)
        %dma_wait3A_62 = tpu.memref_slice %arg6[%add3A_35] : memref<320000xi32, #tpu.memory_space<hbm>> -> memref<40xi32, #tpu.memory_space<hbm>>
        %dma_wait3A_63 = tpu.memref_slice %arg6[%add3A_35] : memref<320000xi32, #tpu.memory_space<hbm>> -> memref<40xi32, #tpu.memory_space<hbm>>
        tpu.wait_dma2 semaphore(%run_scoped3A : memref<!tpu.dma_semaphore, #tpu.memory_space<semaphore_mem>>) src(%dma_wait3A_63 : memref<40xi32, #tpu.memory_space<hbm>>) dst(%arg9 : memref<40xi32, #tpu.memory_space<vmem>>)
        tpu.yield
      }) : () -> ()
      %dma_start3A = arith.constant 0 : i32
      %dma_start3A_36 = arith.constant 0 : i32
      %dma_start3A_37 = tpu.memref_slice %arg2[%dma_start3A, %dma_start3A_36] : memref<10000x128xf32, #tpu.memory_space<hbm>> -> memref<10000x128xf32, #tpu.memory_space<hbm>>
      tpu.enqueue_indirect_dma source(%dma_start3A_37 : memref<10000x128xf32, #tpu.memory_space<hbm>>) target(%arg10 : memref<40x128xf32, #tpu.memory_space<vmem>>) offsets(%arg9 : memref<40xi32, #tpu.memory_space<vmem>>) semaphore(%arg16 : memref<!tpu.dma_semaphore, #tpu.memory_space<semaphore_mem>>)
      %dma_start3A_38 = arith.constant 0 : i32
      %dma_start3A_39 = arith.constant 0 : i32
      %dma_start3A_40 = tpu.memref_slice %arg3[%dma_start3A_38, %dma_start3A_39] : memref<10000x128xf32, #tpu.memory_space<hbm>> -> memref<10000x128xf32, #tpu.memory_space<hbm>>
      tpu.enqueue_indirect_dma source(%dma_start3A_40 : memref<10000x128xf32, #tpu.memory_space<hbm>>) target(%arg11 : memref<40x128xf32, #tpu.memory_space<vmem>>) offsets(%arg8 : memref<40xi32, #tpu.memory_space<vmem>>) semaphore(%arg17 : memref<!tpu.dma_semaphore, #tpu.memory_space<semaphore_mem>>)
      %dma_start3A_41 = arith.constant 0 : i32
      %dma_start3A_42 = arith.constant 0 : i32
      %dma_start3A_43 = tpu.memref_slice %arg4[%dma_start3A_41, %dma_start3A_42] : memref<10000x128xf32, #tpu.memory_space<hbm>> -> memref<10000x128xf32, #tpu.memory_space<hbm>>
      tpu.enqueue_indirect_dma source(%dma_start3A_43 : memref<10000x128xf32, #tpu.memory_space<hbm>>) target(%arg12 : memref<40x128xf32, #tpu.memory_space<vmem>>) offsets(%arg8 : memref<40xi32, #tpu.memory_space<vmem>>) semaphore(%arg18 : memref<!tpu.dma_semaphore, #tpu.memory_space<semaphore_mem>>)
      %dma_wait3A = arith.constant 0 : i32
      %dma_wait3A_44 = arith.constant 0 : i32
      %dma_wait3A_45 = tpu.memref_slice %arg2[%dma_wait3A, %dma_wait3A_44] : memref<10000x128xf32, #tpu.memory_space<hbm>> -> memref<10000x128xf32, #tpu.memory_space<hbm>>
      tpu.wait_indirect_dma semaphore(%arg16 : memref<!tpu.dma_semaphore, #tpu.memory_space<semaphore_mem>>) src(%dma_wait3A_45 : memref<10000x128xf32, #tpu.memory_space<hbm>>) dst(%arg10 : memref<40x128xf32, #tpu.memory_space<vmem>>)
      %dma_wait3A_46 = arith.constant 0 : i32
      %dma_wait3A_47 = arith.constant 0 : i32
      %dma_wait3A_48 = tpu.memref_slice %arg3[%dma_wait3A_46, %dma_wait3A_47] : memref<10000x128xf32, #tpu.memory_space<hbm>> -> memref<10000x128xf32, #tpu.memory_space<hbm>>
      tpu.wait_indirect_dma semaphore(%arg17 : memref<!tpu.dma_semaphore, #tpu.memory_space<semaphore_mem>>) src(%dma_wait3A_48 : memref<10000x128xf32, #tpu.memory_space<hbm>>) dst(%arg11 : memref<40x128xf32, #tpu.memory_space<vmem>>)
      %dma_wait3A_49 = arith.constant 0 : i32
      %dma_wait3A_50 = arith.constant 0 : i32
      %dma_wait3A_51 = tpu.memref_slice %arg4[%dma_wait3A_49, %dma_wait3A_50] : memref<10000x128xf32, #tpu.memory_space<hbm>> -> memref<10000x128xf32, #tpu.memory_space<hbm>>
      tpu.wait_indirect_dma semaphore(%arg18 : memref<!tpu.dma_semaphore, #tpu.memory_space<semaphore_mem>>) src(%dma_wait3A_51 : memref<10000x128xf32, #tpu.memory_space<hbm>>) dst(%arg12 : memref<40x128xf32, #tpu.memory_space<vmem>>)
      %scan3A_52 = arith.constant 0 : i32
      %scan3A_53 = arith.constant 0 : i32
      %scan3A_54 = arith.constant 40 : i32
      %scan3A_55 = arith.addi %scan3A_53, %scan3A_54 : i32
      %scan3A_56 = arith.constant 1 : i32
      %scan3A_57 = scf.for %scan3A_60 = %scan3A_53 to %scan3A_55 step %scan3A_56 iter_args(%scan3A_61 = %scan3A_52) -> (i32)  : i32 {
        %broadcast_in_dim3A = arith.constant 0.000000e+00 : f32
        %broadcast_in_dim3A_62 = vector.broadcast %broadcast_in_dim3A : f32 to vector<16xf32>
        %get3A = arith.index_cast %scan3A_60 : i32 to index
        %get3A_63 = arith.constant 0 : index
        %get3A_64 = tpu.vector_load %arg10[%get3A, %get3A_63] {strides = array<i32>} : memref<40x128xf32, #tpu.memory_space<vmem>>, vector<16xf32>,
        %get3A_65 = arith.index_cast %scan3A_60 : i32 to index
        %get3A_66 = arith.constant 0 : index
        %get3A_67 = tpu.vector_load %arg11[%get3A_65, %get3A_66] {strides = array<i32>} : memref<40x128xf32, #tpu.memory_space<vmem>>, vector<16xf32>,
        %mul3A_68 = arith.mulf %get3A_64, %get3A_67 : vector<16xf32>
        %reduce_sum3A = arith.constant true
        %reduce_sum3A_69 = vector.broadcast %reduce_sum3A : i1 to vector<16xi1>
        %reduce_sum3A_70 = tpu.scan <sum>, %mul3A_68 masked %reduce_sum3A_69 : vector<16xf32>, vector<16xi1> -> vector<16xf32>
        %reduce_sum3A_71 = vector.extract %reduce_sum3A_70[15] : f32 from vector<16xf32>
        %broadcast_in_dim3A_72 = vector.broadcast %reduce_sum3A_71 : f32 to vector<16xf32>
        %exp3A = math.exp %broadcast_in_dim3A_72 : vector<16xf32>
        %get3A_73 = arith.index_cast %scan3A_60 : i32 to index
        %get3A_74 = arith.constant 0 : index
        %get3A_75 = tpu.vector_load %arg12[%get3A_73, %get3A_74] {strides = array<i32>} : memref<40x128xf32, #tpu.memory_space<vmem>>, vector<16xf32>,
        %mul3A_76 = arith.mulf %get3A_75, %exp3A : vector<16xf32>
        %swap3A = arith.index_cast %scan3A_60 : i32 to index
        %swap3A_77 = arith.constant 0 : index
        %swap3A_78 = tpu.vector_load %arg13[%swap3A, %swap3A_77] {strides = array<i32>} : memref<40x144xf32, #tpu.memory_space<vmem>>, vector<16xf32>,
        tpu.vector_store %arg13[%swap3A, %swap3A_77], %mul3A_76 {strides = array<i32>} : memref<40x144xf32, #tpu.memory_space<vmem>>, vector<16xf32>,
        %eq3A = arith.constant 0 : i32
        %eq3A_79 = vector.broadcast %eq3A : i32 to vector<16xi32>
        %eq3A_80 = arith.cmpi eq, %iota3A, %eq3A_79 : vector<16xi32>
        %select_n3A = arith.select %eq3A_80, %exp3A, %broadcast_in_dim3A_62 : vector<16xi1>, vector<16xf32>
        %get3A_81 = arith.index_cast %scan3A_60 : i32 to index
        %get3A_82 = arith.constant 16 : index
        %get3A_83 = tpu.vector_load %arg10[%get3A_81, %get3A_82] {strides = array<i32>} : memref<40x128xf32, #tpu.memory_space<vmem>>, vector<16xf32>,
        %get3A_84 = arith.index_cast %scan3A_60 : i32 to index
        %get3A_85 = arith.constant 16 : index
        %get3A_86 = tpu.vector_load %arg11[%get3A_84, %get3A_85] {strides = array<i32>} : memref<40x128xf32, #tpu.memory_space<vmem>>, vector<16xf32>,
        %mul3A_87 = arith.mulf %get3A_83, %get3A_86 : vector<16xf32>
        %reduce_sum3A_88 = arith.constant true
        %reduce_sum3A_89 = vector.broadcast %reduce_sum3A_88 : i1 to vector<16xi1>
        %reduce_sum3A_90 = tpu.scan <sum>, %mul3A_87 masked %reduce_sum3A_89 : vector<16xf32>, vector<16xi1> -> vector<16xf32>
        %reduce_sum3A_91 = vector.extract %reduce_sum3A_90[15] : f32 from vector<16xf32>
        %broadcast_in_dim3A_92 = vector.broadcast %reduce_sum3A_91 : f32 to vector<16xf32>
        %exp3A_93 = math.exp %broadcast_in_dim3A_92 : vector<16xf32>
        %get3A_94 = arith.index_cast %scan3A_60 : i32 to index
        %get3A_95 = arith.constant 16 : index
        %get3A_96 = tpu.vector_load %arg12[%get3A_94, %get3A_95] {strides = array<i32>} : memref<40x128xf32, #tpu.memory_space<vmem>>, vector<16xf32>,
        %mul3A_97 = arith.mulf %get3A_96, %exp3A_93 : vector<16xf32>
        %swap3A_98 = arith.index_cast %scan3A_60 : i32 to index
        %swap3A_99 = arith.constant 16 : index
        %swap3A_100 = tpu.vector_load %arg13[%swap3A_98, %swap3A_99] {strides = array<i32>} : memref<40x144xf32, #tpu.memory_space<vmem>>, vector<16xf32>,
        tpu.vector_store %arg13[%swap3A_98, %swap3A_99], %mul3A_97 {strides = array<i32>} : memref<40x144xf32, #tpu.memory_space<vmem>>, vector<16xf32>,
        %eq3A_101 = arith.constant 1 : i32
        %eq3A_102 = vector.broadcast %eq3A_101 : i32 to vector<16xi32>
        %eq3A_103 = arith.cmpi eq, %iota3A, %eq3A_102 : vector<16xi32>
        %select_n3A_104 = arith.select %eq3A_103, %exp3A_93, %select_n3A : vector<16xi1>, vector<16xf32>
        %get3A_105 = arith.index_cast %scan3A_60 : i32 to index
        %get3A_106 = arith.constant 32 : index
        %get3A_107 = tpu.vector_load %arg10[%get3A_105, %get3A_106] {strides = array<i32>} : memref<40x128xf32, #tpu.memory_space<vmem>>, vector<16xf32>,
        %get3A_108 = arith.index_cast %scan3A_60 : i32 to index
        %get3A_109 = arith.constant 32 : index
        %get3A_110 = tpu.vector_load %arg11[%get3A_108, %get3A_109] {strides = array<i32>} : memref<40x128xf32, #tpu.memory_space<vmem>>, vector<16xf32>,
        %mul3A_111 = arith.mulf %get3A_107, %get3A_110 : vector<16xf32>
        %reduce_sum3A_112 = arith.constant true
        %reduce_sum3A_113 = vector.broadcast %reduce_sum3A_112 : i1 to vector<16xi1>
        %reduce_sum3A_114 = tpu.scan <sum>, %mul3A_111 masked %reduce_sum3A_113 : vector<16xf32>, vector<16xi1> -> vector<16xf32>
        %reduce_sum3A_115 = vector.extract %reduce_sum3A_114[15] : f32 from vector<16xf32>
        %broadcast_in_dim3A_116 = vector.broadcast %reduce_sum3A_115 : f32 to vector<16xf32>
        %exp3A_117 = math.exp %broadcast_in_dim3A_116 : vector<16xf32>
        %get3A_118 = arith.index_cast %scan3A_60 : i32 to index
        %get3A_119 = arith.constant 32 : index
        %get3A_120 = tpu.vector_load %arg12[%get3A_118, %get3A_119] {strides = array<i32>} : memref<40x128xf32, #tpu.memory_space<vmem>>, vector<16xf32>,
        %mul3A_121 = arith.mulf %get3A_120, %exp3A_117 : vector<16xf32>
        %swap3A_122 = arith.index_cast %scan3A_60 : i32 to index
        %swap3A_123 = arith.constant 32 : index
        %swap3A_124 = tpu.vector_load %arg13[%swap3A_122, %swap3A_123] {strides = array<i32>} : memref<40x144xf32, #tpu.memory_space<vmem>>, vector<16xf32>,
        tpu.vector_store %arg13[%swap3A_122, %swap3A_123], %mul3A_121 {strides = array<i32>} : memref<40x144xf32, #tpu.memory_space<vmem>>, vector<16xf32>,
        %eq3A_125 = arith.constant 2 : i32
        %eq3A_126 = vector.broadcast %eq3A_125 : i32 to vector<16xi32>
        %eq3A_127 = arith.cmpi eq, %iota3A, %eq3A_126 : vector<16xi32>
        %select_n3A_128 = arith.select %eq3A_127, %exp3A_117, %select_n3A_104 : vector<16xi1>, vector<16xf32>
        %get3A_129 = arith.index_cast %scan3A_60 : i32 to index
        %get3A_130 = arith.constant 48 : index
        %get3A_131 = tpu.vector_load %arg10[%get3A_129, %get3A_130] {strides = array<i32>} : memref<40x128xf32, #tpu.memory_space<vmem>>, vector<16xf32>,
        %get3A_132 = arith.index_cast %scan3A_60 : i32 to index
        %get3A_133 = arith.constant 48 : index
        %get3A_134 = tpu.vector_load %arg11[%get3A_132, %get3A_133] {strides = array<i32>} : memref<40x128xf32, #tpu.memory_space<vmem>>, vector<16xf32>,
        %mul3A_135 = arith.mulf %get3A_131, %get3A_134 : vector<16xf32>
        %reduce_sum3A_136 = arith.constant true
        %reduce_sum3A_137 = vector.broadcast %reduce_sum3A_136 : i1 to vector<16xi1>
        %reduce_sum3A_138 = tpu.scan <sum>, %mul3A_135 masked %reduce_sum3A_137 : vector<16xf32>, vector<16xi1> -> vector<16xf32>
        %reduce_sum3A_139 = vector.extract %reduce_sum3A_138[15] : f32 from vector<16xf32>
        %broadcast_in_dim3A_140 = vector.broadcast %reduce_sum3A_139 : f32 to vector<16xf32>
        %exp3A_141 = math.exp %broadcast_in_dim3A_140 : vector<16xf32>
        %get3A_142 = arith.index_cast %scan3A_60 : i32 to index
        %get3A_143 = arith.constant 48 : index
        %get3A_144 = tpu.vector_load %arg12[%get3A_142, %get3A_143] {strides = array<i32>} : memref<40x128xf32, #tpu.memory_space<vmem>>, vector<16xf32>,
        %mul3A_145 = arith.mulf %get3A_144, %exp3A_141 : vector<16xf32>
        %swap3A_146 = arith.index_cast %scan3A_60 : i32 to index
        %swap3A_147 = arith.constant 48 : index
        %swap3A_148 = tpu.vector_load %arg13[%swap3A_146, %swap3A_147] {strides = array<i32>} : memref<40x144xf32, #tpu.memory_space<vmem>>, vector<16xf32>,
        tpu.vector_store %arg13[%swap3A_146, %swap3A_147], %mul3A_145 {strides = array<i32>} : memref<40x144xf32, #tpu.memory_space<vmem>>, vector<16xf32>,
        %eq3A_149 = arith.constant 3 : i32
        %eq3A_150 = vector.broadcast %eq3A_149 : i32 to vector<16xi32>
        %eq3A_151 = arith.cmpi eq, %iota3A, %eq3A_150 : vector<16xi32>
        %select_n3A_152 = arith.select %eq3A_151, %exp3A_141, %select_n3A_128 : vector<16xi1>, vector<16xf32>
        %get3A_153 = arith.index_cast %scan3A_60 : i32 to index
        %get3A_154 = arith.constant 64 : index
        %get3A_155 = tpu.vector_load %arg10[%get3A_153, %get3A_154] {strides = array<i32>} : memref<40x128xf32, #tpu.memory_space<vmem>>, vector<16xf32>,
        %get3A_156 = arith.index_cast %scan3A_60 : i32 to index
        %get3A_157 = arith.constant 64 : index
        %get3A_158 = tpu.vector_load %arg11[%get3A_156, %get3A_157] {strides = array<i32>} : memref<40x128xf32, #tpu.memory_space<vmem>>, vector<16xf32>,
        %mul3A_159 = arith.mulf %get3A_155, %get3A_158 : vector<16xf32>
        %reduce_sum3A_160 = arith.constant true
        %reduce_sum3A_161 = vector.broadcast %reduce_sum3A_160 : i1 to vector<16xi1>
        %reduce_sum3A_162 = tpu.scan <sum>, %mul3A_159 masked %reduce_sum3A_161 : vector<16xf32>, vector<16xi1> -> vector<16xf32>
        %reduce_sum3A_163 = vector.extract %reduce_sum3A_162[15] : f32 from vector<16xf32>
        %broadcast_in_dim3A_164 = vector.broadcast %reduce_sum3A_163 : f32 to vector<16xf32>
        %exp3A_165 = math.exp %broadcast_in_dim3A_164 : vector<16xf32>
        %get3A_166 = arith.index_cast %scan3A_60 : i32 to index
        %get3A_167 = arith.constant 64 : index
        %get3A_168 = tpu.vector_load %arg12[%get3A_166, %get3A_167] {strides = array<i32>} : memref<40x128xf32, #tpu.memory_space<vmem>>, vector<16xf32>,
        %mul3A_169 = arith.mulf %get3A_168, %exp3A_165 : vector<16xf32>
        %swap3A_170 = arith.index_cast %scan3A_60 : i32 to index
        %swap3A_171 = arith.constant 64 : index
        %swap3A_172 = tpu.vector_load %arg13[%swap3A_170, %swap3A_171] {strides = array<i32>} : memref<40x144xf32, #tpu.memory_space<vmem>>, vector<16xf32>,
        tpu.vector_store %arg13[%swap3A_170, %swap3A_171], %mul3A_169 {strides = array<i32>} : memref<40x144xf32, #tpu.memory_space<vmem>>, vector<16xf32>,
        %eq3A_173 = arith.constant 4 : i32
        %eq3A_174 = vector.broadcast %eq3A_173 : i32 to vector<16xi32>
        %eq3A_175 = arith.cmpi eq, %iota3A, %eq3A_174 : vector<16xi32>
        %select_n3A_176 = arith.select %eq3A_175, %exp3A_165, %select_n3A_152 : vector<16xi1>, vector<16xf32>
        %get3A_177 = arith.index_cast %scan3A_60 : i32 to index
        %get3A_178 = arith.constant 80 : index
        %get3A_179 = tpu.vector_load %arg10[%get3A_177, %get3A_178] {strides = array<i32>} : memref<40x128xf32, #tpu.memory_space<vmem>>, vector<16xf32>,
        %get3A_180 = arith.index_cast %scan3A_60 : i32 to index
        %get3A_181 = arith.constant 80 : index
        %get3A_182 = tpu.vector_load %arg11[%get3A_180, %get3A_181] {strides = array<i32>} : memref<40x128xf32, #tpu.memory_space<vmem>>, vector<16xf32>,
        %mul3A_183 = arith.mulf %get3A_179, %get3A_182 : vector<16xf32>
        %reduce_sum3A_184 = arith.constant true
        %reduce_sum3A_185 = vector.broadcast %reduce_sum3A_184 : i1 to vector<16xi1>
        %reduce_sum3A_186 = tpu.scan <sum>, %mul3A_183 masked %reduce_sum3A_185 : vector<16xf32>, vector<16xi1> -> vector<16xf32>
        %reduce_sum3A_187 = vector.extract %reduce_sum3A_186[15] : f32 from vector<16xf32>
        %broadcast_in_dim3A_188 = vector.broadcast %reduce_sum3A_187 : f32 to vector<16xf32>
        %exp3A_189 = math.exp %broadcast_in_dim3A_188 : vector<16xf32>
        %get3A_190 = arith.index_cast %scan3A_60 : i32 to index
        %get3A_191 = arith.constant 80 : index
        %get3A_192 = tpu.vector_load %arg12[%get3A_190, %get3A_191] {strides = array<i32>} : memref<40x128xf32, #tpu.memory_space<vmem>>, vector<16xf32>,
        %mul3A_193 = arith.mulf %get3A_192, %exp3A_189 : vector<16xf32>
        %swap3A_194 = arith.index_cast %scan3A_60 : i32 to index
        %swap3A_195 = arith.constant 80 : index
        %swap3A_196 = tpu.vector_load %arg13[%swap3A_194, %swap3A_195] {strides = array<i32>} : memref<40x144xf32, #tpu.memory_space<vmem>>, vector<16xf32>,
        tpu.vector_store %arg13[%swap3A_194, %swap3A_195], %mul3A_193 {strides = array<i32>} : memref<40x144xf32, #tpu.memory_space<vmem>>, vector<16xf32>,
        %eq3A_197 = arith.constant 5 : i32
        %eq3A_198 = vector.broadcast %eq3A_197 : i32 to vector<16xi32>
        %eq3A_199 = arith.cmpi eq, %iota3A, %eq3A_198 : vector<16xi32>
        %select_n3A_200 = arith.select %eq3A_199, %exp3A_189, %select_n3A_176 : vector<16xi1>, vector<16xf32>
        %get3A_201 = arith.index_cast %scan3A_60 : i32 to index
        %get3A_202 = arith.constant 96 : index
        %get3A_203 = tpu.vector_load %arg10[%get3A_201, %get3A_202] {strides = array<i32>} : memref<40x128xf32, #tpu.memory_space<vmem>>, vector<16xf32>,
        %get3A_204 = arith.index_cast %scan3A_60 : i32 to index
        %get3A_205 = arith.constant 96 : index
        %get3A_206 = tpu.vector_load %arg11[%get3A_204, %get3A_205] {strides = array<i32>} : memref<40x128xf32, #tpu.memory_space<vmem>>, vector<16xf32>,
        %mul3A_207 = arith.mulf %get3A_203, %get3A_206 : vector<16xf32>
        %reduce_sum3A_208 = arith.constant true
        %reduce_sum3A_209 = vector.broadcast %reduce_sum3A_208 : i1 to vector<16xi1>
        %reduce_sum3A_210 = tpu.scan <sum>, %mul3A_207 masked %reduce_sum3A_209 : vector<16xf32>, vector<16xi1> -> vector<16xf32>
        %reduce_sum3A_211 = vector.extract %reduce_sum3A_210[15] : f32 from vector<16xf32>
        %broadcast_in_dim3A_212 = vector.broadcast %reduce_sum3A_211 : f32 to vector<16xf32>
        %exp3A_213 = math.exp %broadcast_in_dim3A_212 : vector<16xf32>
        %get3A_214 = arith.index_cast %scan3A_60 : i32 to index
        %get3A_215 = arith.constant 96 : index
        %get3A_216 = tpu.vector_load %arg12[%get3A_214, %get3A_215] {strides = array<i32>} : memref<40x128xf32, #tpu.memory_space<vmem>>, vector<16xf32>,
        %mul3A_217 = arith.mulf %get3A_216, %exp3A_213 : vector<16xf32>
        %swap3A_218 = arith.index_cast %scan3A_60 : i32 to index
        %swap3A_219 = arith.constant 96 : index
        %swap3A_220 = tpu.vector_load %arg13[%swap3A_218, %swap3A_219] {strides = array<i32>} : memref<40x144xf32, #tpu.memory_space<vmem>>, vector<16xf32>,
        tpu.vector_store %arg13[%swap3A_218, %swap3A_219], %mul3A_217 {strides = array<i32>} : memref<40x144xf32, #tpu.memory_space<vmem>>, vector<16xf32>,
        %eq3A_221 = arith.constant 6 : i32
        %eq3A_222 = vector.broadcast %eq3A_221 : i32 to vector<16xi32>
        %eq3A_223 = arith.cmpi eq, %iota3A, %eq3A_222 : vector<16xi32>
        %select_n3A_224 = arith.select %eq3A_223, %exp3A_213, %select_n3A_200 : vector<16xi1>, vector<16xf32>
        %get3A_225 = arith.index_cast %scan3A_60 : i32 to index
        %get3A_226 = arith.constant 112 : index
        %get3A_227 = tpu.vector_load %arg10[%get3A_225, %get3A_226] {strides = array<i32>} : memref<40x128xf32, #tpu.memory_space<vmem>>, vector<16xf32>,
        %get3A_228 = arith.index_cast %scan3A_60 : i32 to index
        %get3A_229 = arith.constant 112 : index
        %get3A_230 = tpu.vector_load %arg11[%get3A_228, %get3A_229] {strides = array<i32>} : memref<40x128xf32, #tpu.memory_space<vmem>>, vector<16xf32>,
        %mul3A_231 = arith.mulf %get3A_227, %get3A_230 : vector<16xf32>
        %reduce_sum3A_232 = arith.constant true
        %reduce_sum3A_233 = vector.broadcast %reduce_sum3A_232 : i1 to vector<16xi1>
        %reduce_sum3A_234 = tpu.scan <sum>, %mul3A_231 masked %reduce_sum3A_233 : vector<16xf32>, vector<16xi1> -> vector<16xf32>
        %reduce_sum3A_235 = vector.extract %reduce_sum3A_234[15] : f32 from vector<16xf32>
        %broadcast_in_dim3A_236 = vector.broadcast %reduce_sum3A_235 : f32 to vector<16xf32>
        %exp3A_237 = math.exp %broadcast_in_dim3A_236 : vector<16xf32>
        %get3A_238 = arith.index_cast %scan3A_60 : i32 to index
        %get3A_239 = arith.constant 112 : index
        %get3A_240 = tpu.vector_load %arg12[%get3A_238, %get3A_239] {strides = array<i32>} : memref<40x128xf32, #tpu.memory_space<vmem>>, vector<16xf32>,
        %mul3A_241 = arith.mulf %get3A_240, %exp3A_237 : vector<16xf32>
        %swap3A_242 = arith.index_cast %scan3A_60 : i32 to index
        %swap3A_243 = arith.constant 112 : index
        %swap3A_244 = tpu.vector_load %arg13[%swap3A_242, %swap3A_243] {strides = array<i32>} : memref<40x144xf32, #tpu.memory_space<vmem>>, vector<16xf32>,
        tpu.vector_store %arg13[%swap3A_242, %swap3A_243], %mul3A_241 {strides = array<i32>} : memref<40x144xf32, #tpu.memory_space<vmem>>, vector<16xf32>,
        %eq3A_245 = arith.constant 7 : i32
        %eq3A_246 = vector.broadcast %eq3A_245 : i32 to vector<16xi32>
        %eq3A_247 = arith.cmpi eq, %iota3A, %eq3A_246 : vector<16xi32>
        %select_n3A_248 = arith.select %eq3A_247, %exp3A_237, %select_n3A_224 : vector<16xi1>, vector<16xf32>
        %swap3A_249 = arith.index_cast %scan3A_60 : i32 to index
        %swap3A_250 = arith.constant 128 : index
        %swap3A_251 = tpu.vector_load %arg13[%swap3A_249, %swap3A_250] {strides = array<i32>} : memref<40x144xf32, #tpu.memory_space<vmem>>, vector<16xf32>,
        tpu.vector_store %arg13[%swap3A_249, %swap3A_250], %select_n3A_248 {strides = array<i32>} : memref<40x144xf32, #tpu.memory_space<vmem>>, vector<16xf32>,
        %scan3A_252 = arith.constant 0 : i32
        scf.yield %scan3A_252 : i32
      }
      %scan3A_58 = arith.constant 40 : i32
      "tpu.region"() ({
        %run_scoped3A = tpu.sem_alloc : memref<!tpu.dma_semaphore, #tpu.memory_space<semaphore_mem>>
        %dma_start3A_60 = arith.constant 0 : i32
        %dma_start3A_61 = arith.constant 0 : i32
        %dma_start3A_62 = tpu.memref_slice %arg15[%dma_start3A_60, %dma_start3A_61] : memref<10000x144xf32, #tpu.memory_space<vmem_shared>> -> memref<10000x144xf32, #tpu.memory_space<vmem_shared>>
        tpu.enqueue_indirect_dma source(%arg13 : memref<40x144xf32, #tpu.memory_space<vmem>>) target(%dma_start3A_62 : memref<10000x144xf32, #tpu.memory_space<vmem_shared>>) offsets(%arg9 : memref<40xi32, #tpu.memory_space<vmem>>) semaphore(%run_scoped3A : memref<!tpu.dma_semaphore, #tpu.memory_space<semaphore_mem>>) {add = true}
        %dma_wait3A_63 = arith.constant 0 : i32
        %dma_wait3A_64 = arith.constant 0 : i32
        %dma_wait3A_65 = tpu.memref_slice %arg15[%dma_wait3A_63, %dma_wait3A_64] : memref<10000x144xf32, #tpu.memory_space<vmem_shared>> -> memref<10000x144xf32, #tpu.memory_space<vmem_shared>>
        tpu.wait_indirect_dma semaphore(%run_scoped3A : memref<!tpu.dma_semaphore, #tpu.memory_space<semaphore_mem>>) src(%arg13 : memref<40x144xf32, #tpu.memory_space<vmem>>) dst(%dma_wait3A_65 : memref<10000x144xf32, #tpu.memory_space<vmem_shared>>)
        tpu.yield
      }) : () -> ()
      %scan3A_59 = arith.constant 0 : i32
      scf.yield %scan3A_59 : i32
    }
    %scan3A_20 = arith.constant 250 : i32
    %barrier3A_21 = arith.constant 0 : index
    tpu.barrier barrier_id(%barrier3A_21)
    %scan3A_22 = arith.constant 0 : i32
    %scan3A_23 = arith.constant 0 : i32
    %scan3A_24 = arith.constant 25 : i32
    %scan3A_25 = arith.addi %scan3A_23, %scan3A_24 : i32
    %scan3A_26 = arith.constant 1 : i32
    %scan3A_27 = scf.for %scan3A_29 = %scan3A_23 to %scan3A_25 step %scan3A_26 iter_args(%scan3A_30 = %scan3A_22) -> (i32)  : i32 {
      %mul3A_31 = arith.constant 625 : i32
      %mul3A_32 = arith.muli %arg1, %mul3A_31 : i32
      %mul3A_33 = arith.constant 25 : i32
      %mul3A_34 = arith.muli %scan3A_29, %mul3A_33 : i32
      %add3A_35 = arith.addi %mul3A_32, %mul3A_34 : i32
      "tpu.region"() ({
        %run_scoped3A = tpu.sem_alloc : memref<!tpu.dma_semaphore, #tpu.memory_space<semaphore_mem>>
        %dma_start3A = arith.constant 0 : i32
        %dma_start3A_37 = tpu.memref_slice %arg7[%arg0, %add3A_35, %dma_start3A] : memref<2x10000x144xf32, #tpu.memory_space<hbm>> -> memref<1x25x144xf32, #tpu.memory_space<hbm>>
        %dma_start3A_38 = tpu.memref_squeeze %dma_start3A_37 : memref<1x25x144xf32, #tpu.memory_space<hbm>> -> memref<25x144xf32, #tpu.memory_space<hbm>>
        %dma_start3A_39 = arith.constant 0 : i32
        %dma_start3A_40 = tpu.memref_slice %arg15[%add3A_35, %dma_start3A_39] : memref<10000x144xf32, #tpu.memory_space<vmem_shared>> -> memref<25x144xf32, #tpu.memory_space<vmem_shared>>
        tpu.enqueue_dma source(%dma_start3A_40 : memref<25x144xf32, #tpu.memory_space<vmem_shared>>) target(%dma_start3A_38 : memref<25x144xf32, #tpu.memory_space<hbm>>) target_semaphore(%run_scoped3A : memref<!tpu.dma_semaphore, #tpu.memory_space<semaphore_mem>>)
        %dma_wait3A = arith.constant 0 : i32
        %dma_wait3A_41 = tpu.memref_slice %arg7[%arg0, %add3A_35, %dma_wait3A] : memref<2x10000x144xf32, #tpu.memory_space<hbm>> -> memref<1x25x144xf32, #tpu.memory_space<hbm>>
        %dma_wait3A_42 = tpu.memref_squeeze %dma_wait3A_41 : memref<1x25x144xf32, #tpu.memory_space<hbm>> -> memref<25x144xf32, #tpu.memory_space<hbm>>
        %dma_wait3A_43 = arith.constant 0 : i32
        %dma_wait3A_44 = tpu.memref_slice %arg15[%add3A_35, %dma_wait3A_43] : memref<10000x144xf32, #tpu.memory_space<vmem_shared>> -> memref<25x144xf32, #tpu.memory_space<vmem_shared>>
        tpu.wait_dma2 semaphore(%run_scoped3A : memref<!tpu.dma_semaphore, #tpu.memory_space<semaphore_mem>>) src(%dma_wait3A_44 : memref<25x144xf32, #tpu.memory_space<vmem_shared>>) dst(%dma_wait3A_42 : memref<25x144xf32, #tpu.memory_space<hbm>>)
        tpu.yield
      }) : () -> ()
      %scan3A_36 = arith.constant 0 : i32
      scf.yield %scan3A_36 : i32
    }
    %scan3A_28 = arith.constant 25 : i32
    return
  }
}

module attributes {stable_mosaic.version = 14 : i64} {
  func.func @_proj_body(%arg0: i32, %arg1: memref<2000x128xf32, #tpu.memory_space<vmem>>, %arg2: memref<128x384xf32, #tpu.memory_space<vmem>>, %arg3: memref<1x384xf32, #tpu.memory_space<vmem>>, %arg4: memref<2000x384xf32, #tpu.memory_space<vmem>>) attributes {dimension_semantics = [#tpu.dimension_semantics<arbitrary>], iteration_bounds = array<i64: 5>, scalar_prefetch = 0 : i64, scratch_operands = 0 : i64, tpu.core_type = #tpu.core_type<tc>, window_params = [{transform_indices = @transform_0, window_bounds = array<i64: 2000, 128>}, {pipeline_mode = #tpu.pipeline_mode<synchronous>, transform_indices = @transform_1, window_bounds = array<i64: 128, 384>}, {pipeline_mode = #tpu.pipeline_mode<synchronous>, transform_indices = @transform_2, window_bounds = array<i64: 1, 384>}, {transform_indices = @transform_3, window_bounds = array<i64: 2000, 384>}]} {
    %get3A = arith.constant 0 : index
    %get3A_0 = arith.constant 0 : index
    %get3A_1 = vector.load %arg1[%get3A, %get3A_0] : memref<2000x128xf32, #tpu.memory_space<vmem>>, vector<2000x128xf32>
    %get3A_2 = arith.constant 0 : index
    %get3A_3 = arith.constant 0 : index
    %get3A_4 = vector.load %arg2[%get3A_2, %get3A_3] : memref<128x384xf32, #tpu.memory_space<vmem>>, vector<128x384xf32>
    %dot_general3A = arith.constant dense<0.000000e+00> : vector<2000x384xf32>
    %dot_general3A_5 = tpu.matmul %get3A_1, %get3A_4, %dot_general3A {dimension_numbers = #tpu.dot_dimension_numbers<[1], [0], [0], [1], [0, 0, 1, 1], [], []>, transpose_lhs_hint = false} : vector<2000x128xf32>, vector<128x384xf32>, vector<2000x384xf32> -> vector<2000x384xf32>
    %get3A_6 = arith.constant 0 : index
    %get3A_7 = arith.constant 0 : index
    %get3A_8 = vector.load %arg3[%get3A_6, %get3A_7] : memref<1x384xf32, #tpu.memory_space<vmem>>, vector<1x384xf32>
    %add3A = vector.broadcast %get3A_8 : vector<1x384xf32> to vector<2000x384xf32>
    %add3A_9 = arith.addf %dot_general3A_5, %add3A : vector<2000x384xf32>
    %swap3A = arith.constant 0 : index
    %swap3A_10 = arith.constant 0 : index
    %swap3A_11 = vector.load %arg4[%swap3A, %swap3A_10] : memref<2000x384xf32, #tpu.memory_space<vmem>>, vector<2000x384xf32>
    tpu.vector_store %arg4[%swap3A, %swap3A_10], %add3A_9 {strides = array<i32>} : memref<2000x384xf32, #tpu.memory_space<vmem>>, vector<2000x384xf32>,
    return
  }
  func.func @transform_0(%arg0: i32) -> (i32, i32) {
    %c0_i32 = arith.constant 0 : i32
    %c0_i32_0 = arith.constant 0 : i32
    return %arg0, %c0_i32 : i32, i32
  }
  func.func @transform_1(%arg0: i32) -> (i32, i32) {
    %c0_i32 = arith.constant 0 : i32
    %c0_i32_0 = arith.constant 0 : i32
    %c0_i32_1 = arith.constant 0 : i32
    return %c0_i32, %c0_i32_0 : i32, i32
  }
  func.func @transform_2(%arg0: i32) -> (i32, i32) {
    %c0_i32 = arith.constant 0 : i32
    %c0_i32_0 = arith.constant 0 : i32
    %c0_i32_1 = arith.constant 0 : i32
    return %c0_i32, %c0_i32_0 : i32, i32
  }
  func.func @transform_3(%arg0: i32) -> (i32, i32) {
    %c0_i32 = arith.constant 0 : i32
    %c0_i32_0 = arith.constant 0 : i32
    return %arg0, %c0_i32 : i32, i32
  }
}

module attributes {stable_mosaic.version = 14 : i64} {
  func.func @_final_body(%arg0: i32, %arg1: memref<2x2000x128xf32, #tpu.memory_space<vmem>>, %arg2: memref<2x2000x8xf32, #tpu.memory_space<vmem>>, %arg3: memref<2000x128xf32, #tpu.memory_space<vmem>>, %arg4: memref<128x128xf32, #tpu.memory_space<vmem>>, %arg5: memref<1x128xf32, #tpu.memory_space<vmem>>, %arg6: memref<8x128xf32, #tpu.memory_space<vmem>>, %arg7: memref<1x1xf32, #tpu.memory_space<vmem>>, %arg8: memref<2000x128xf32, #tpu.memory_space<vmem>>) attributes {dimension_semantics = [#tpu.dimension_semantics<arbitrary>], iteration_bounds = array<i64: 5>, scalar_prefetch = 0 : i64, scratch_operands = 0 : i64, tpu.core_type = #tpu.core_type<tc>, window_params = [{transform_indices = @transform_0, window_bounds = array<i64: 2, 2000, 128>}, {transform_indices = @transform_1, window_bounds = array<i64: 2, 2000, 8>}, {transform_indices = @transform_2, window_bounds = array<i64: 2000, 128>}, {pipeline_mode = #tpu.pipeline_mode<synchronous>, transform_indices = @transform_3, window_bounds = array<i64: 128, 128>}, {pipeline_mode = #tpu.pipeline_mode<synchronous>, transform_indices = @transform_4, window_bounds = array<i64: 1, 128>}, {pipeline_mode = #tpu.pipeline_mode<synchronous>, transform_indices = @transform_5, window_bounds = array<i64: 8, 128>}, {pipeline_mode = #tpu.pipeline_mode<synchronous>, transform_indices = @transform_6, window_bounds = array<i64: 1, 1>}, {transform_indices = @transform_7, window_bounds = array<i64: 2000, 128>}]} {
    %get3A = arith.constant 0 : index
    %get3A_0 = arith.constant 0 : index
    %get3A_1 = arith.constant 0 : index
    %get3A_2 = vector.load %arg1[%get3A, %get3A_0, %get3A_1] : memref<2x2000x128xf32, #tpu.memory_space<vmem>>, vector<1x2000x128xf32>
    %get3A_3 = vector.shape_cast %get3A_2 : vector<1x2000x128xf32> to vector<2000x128xf32>
    %get3A_4 = arith.constant 1 : index
    %get3A_5 = arith.constant 0 : index
    %get3A_6 = arith.constant 0 : index
    %get3A_7 = vector.load %arg1[%get3A_4, %get3A_5, %get3A_6] : memref<2x2000x128xf32, #tpu.memory_space<vmem>>, vector<1x2000x128xf32>
    %get3A_8 = vector.shape_cast %get3A_7 : vector<1x2000x128xf32> to vector<2000x128xf32>
    %add3A = arith.addf %get3A_3, %get3A_8 : vector<2000x128xf32>
    %get3A_9 = arith.constant 0 : index
    %get3A_10 = arith.constant 0 : index
    %get3A_11 = arith.constant 0 : index
    %get3A_12 = vector.load %arg2[%get3A_9, %get3A_10, %get3A_11] : memref<2x2000x8xf32, #tpu.memory_space<vmem>>, vector<1x2000x8xf32>
    %get3A_13 = vector.shape_cast %get3A_12 : vector<1x2000x8xf32> to vector<2000x8xf32>
    %get3A_14 = arith.constant 1 : index
    %get3A_15 = arith.constant 0 : index
    %get3A_16 = arith.constant 0 : index
    %get3A_17 = vector.load %arg2[%get3A_14, %get3A_15, %get3A_16] : memref<2x2000x8xf32, #tpu.memory_space<vmem>>, vector<1x2000x8xf32>
    %get3A_18 = vector.shape_cast %get3A_17 : vector<1x2000x8xf32> to vector<2000x8xf32>
    %add3A_19 = arith.addf %get3A_13, %get3A_18 : vector<2000x8xf32>
    %eq3A = arith.constant 0.000000e+00 : f32
    %eq3A_20 = vector.broadcast %eq3A : f32 to vector<2000x8xf32>
    %eq3A_21 = arith.cmpf oeq, %add3A_19, %eq3A_20 : vector<2000x8xf32>
    %jit3A = arith.constant 1.000000e+00 : f32
    %broadcast_in_dim3A = vector.broadcast %jit3A : f32 to vector<2000x8xf32>
    %select_n3A = arith.select %eq3A_21, %broadcast_in_dim3A, %add3A_19 : vector<2000x8xi1>, vector<2000x8xf32>
    %get3A_22 = arith.constant 0 : index
    %get3A_23 = arith.constant 0 : index
    %get3A_24 = vector.load %arg6[%get3A_22, %get3A_23] : memref<8x128xf32, #tpu.memory_space<vmem>>, vector<8x128xf32>
    %dot_general3A = arith.constant dense<0.000000e+00> : vector<2000x128xf32>
    %dot_general3A_25 = tpu.matmul %select_n3A, %get3A_24, %dot_general3A {dimension_numbers = #tpu.dot_dimension_numbers<[1], [0], [0], [1], [0, 0, 1, 1], [], []>, transpose_lhs_hint = false} : vector<2000x8xf32>, vector<8x128xf32>, vector<2000x128xf32> -> vector<2000x128xf32>
    %div3A = arith.divf %add3A, %dot_general3A_25 : vector<2000x128xf32>
    %get3A_26 = arith.constant 0 : index
    %get3A_27 = arith.constant 0 : index
    %get3A_28 = vector.load %arg4[%get3A_26, %get3A_27] : memref<128x128xf32, #tpu.memory_space<vmem>>, vector<128x128xf32>
    %dot_general3A_29 = arith.constant dense<0.000000e+00> : vector<2000x128xf32>
    %dot_general3A_30 = tpu.matmul %div3A, %get3A_28, %dot_general3A_29 {dimension_numbers = #tpu.dot_dimension_numbers<[1], [0], [0], [1], [0, 0, 1, 1], [], []>, transpose_lhs_hint = false} : vector<2000x128xf32>, vector<128x128xf32>, vector<2000x128xf32> -> vector<2000x128xf32>
    %get3A_31 = arith.constant 0 : index
    %get3A_32 = arith.constant 0 : index
    %get3A_33 = vector.load %arg5[%get3A_31, %get3A_32] : memref<1x128xf32, #tpu.memory_space<vmem>>, vector<1x128xf32>
    %add3A_34 = vector.broadcast %get3A_33 : vector<1x128xf32> to vector<2000x128xf32>
    %add3A_35 = arith.addf %dot_general3A_30, %add3A_34 : vector<2000x128xf32>
    %get3A_36 = arith.constant 0 : index
    %get3A_37 = arith.constant 0 : index
    %get3A_38 = vector.load %arg7[%get3A_36, %get3A_37] : memref<1x1xf32, #tpu.memory_space<vmem>>, vector<1x1xf32>
    %get3A_39 = vector.extract %get3A_38[0, 0] : f32 from vector<1x1xf32>
    %get3A_40 = arith.constant 0 : index
    %get3A_41 = arith.constant 0 : index
    %get3A_42 = vector.load %arg3[%get3A_40, %get3A_41] : memref<2000x128xf32, #tpu.memory_space<vmem>>, vector<2000x128xf32>
    %mul3A = vector.broadcast %get3A_39 : f32 to vector<2000x128xf32>
    %mul3A_43 = arith.mulf %get3A_42, %mul3A : vector<2000x128xf32>
    %add3A_44 = arith.addf %add3A_35, %mul3A_43 : vector<2000x128xf32>
    %swap3A = arith.constant 0 : index
    %swap3A_45 = arith.constant 0 : index
    %swap3A_46 = vector.load %arg8[%swap3A, %swap3A_45] : memref<2000x128xf32, #tpu.memory_space<vmem>>, vector<2000x128xf32>
    tpu.vector_store %arg8[%swap3A, %swap3A_45], %add3A_44 {strides = array<i32>} : memref<2000x128xf32, #tpu.memory_space<vmem>>, vector<2000x128xf32>,
    return
  }
  func.func @transform_0(%arg0: i32) -> (i32, i32, i32) {
    %c0_i32 = arith.constant 0 : i32
    %c0_i32_0 = arith.constant 0 : i32
    %c0_i32_1 = arith.constant 0 : i32
    return %c0_i32, %arg0, %c0_i32_0 : i32, i32, i32
  }
  func.func @transform_1(%arg0: i32) -> (i32, i32, i32) {
    %c0_i32 = arith.constant 0 : i32
    %c0_i32_0 = arith.constant 0 : i32
    %c0_i32_1 = arith.constant 0 : i32
    return %c0_i32, %arg0, %c0_i32_0 : i32, i32, i32
  }
  func.func @transform_2(%arg0: i32) -> (i32, i32) {
    %c0_i32 = arith.constant 0 : i32
    %c0_i32_0 = arith.constant 0 : i32
    return %arg0, %c0_i32 : i32, i32
  }
  func.func @transform_3(%arg0: i32) -> (i32, i32) {
    %c0_i32 = arith.constant 0 : i32
    %c0_i32_0 = arith.constant 0 : i32
    %c0_i32_1 = arith.constant 0 : i32
    return %c0_i32, %c0_i32_0 : i32, i32
  }
  func.func @transform_4(%arg0: i32) -> (i32, i32) {
    %c0_i32 = arith.constant 0 : i32
    %c0_i32_0 = arith.constant 0 : i32
    %c0_i32_1 = arith.constant 0 : i32
    return %c0_i32, %c0_i32_0 : i32, i32
  }
  func.func @transform_5(%arg0: i32) -> (i32, i32) {
    %c0_i32 = arith.constant 0 : i32
    %c0_i32_0 = arith.constant 0 : i32
    %c0_i32_1 = arith.constant 0 : i32
    return %c0_i32, %c0_i32_0 : i32, i32
  }
  func.func @transform_6(%arg0: i32) -> (i32, i32) {
    %c0_i32 = arith.constant 0 : i32
    %c0_i32_0 = arith.constant 0 : i32
    %c0_i32_1 = arith.constant 0 : i32
    return %c0_i32, %c0_i32_0 : i32, i32
  }
  func.func @transform_7(%arg0: i32) -> (i32, i32) {
    %c0_i32 = arith.constant 0 : i32
    %c0_i32_0 = arith.constant 0 : i32
    return %arg0, %c0_i32 : i32, i32
  }
}

</mosaic_0001>

<sc_bundles>
// kernel: kernel.5.cloned.1.call-start
scs
__scs_entry_jumppad:
0x0: {  	(pc) =	sbr.rel $0x88, $3  }
0x1: {  	(tag) =	ssettag $0x0;
	lr =	simm.s32 $0x1  }
0x2: {  	[smem:$0x3F93] =	sst lr;
	_ =	strace $0xD0000000  }
0x3: {  	_ = 	snop  }
0x4: {  	_ = 	snop  }
0x5: {  	_ = 	snop  }
0x6: {  	_ = 	snop  }
0x7: {  	_ = 	snop  }
__scs_overlays_trampoline_lowered:
0x8: {  	[smem:$0x3FA2] =	sst s0  }
0x9: {  	[smem:$0x3FA3] =	sst s1  }
0xa: {  	[smem:$0x3FA4] =	sst s2  }
0xb: {  	[smem:$0x3FA5] =	sst s3  }
0xc: {  	[smem:$0x3FA6] =	sst s4  }
0xd: {  	[smem:$0x3FA7] =	sst s5  }
0xe: {  	[smem:$0x3FA8] =	sst s6  }
0xf: {  	[smem:$0x3FA9] =	sst s7  }
0x10: {  	[smem:$0x3FAA] =	sst s8  }
0x11: {  	[smem:$0x3FAB] =	sst s9;
	s0 =	simm.s32 @!p0 $0x0  }
0x12: {  	s1 =	sld [smem:$0x3F91];
	s0 =	simm.s32 @p0 $0x1  }
0x13: {  	[smem:$0x3FAC] =	sst s0;
	s0 =	simm.s32 @!p1 $0x0  }
0x14: {  	s2 =	sld [smem:$0x3F90];
	s0 =	simm.s32 @p1 $0x1  }
0x15: {  	[smem:$0x3FAD] =	sst s0;
	s0 =	simm.s32 @!p2 $0x0  }
0x16: {  	s3 =	sld [smem:$0x3FDB];
	s0 =	simm.s32 @p2 $0x1  }
0x17: {  	s4 =	simm.s32 $0x1BF5;
	[smem:$0x3FAF] =	sst s0  }
0x18: {  	s0 =	sld [smem:$0x3F92];
	_ =	swait.ge [sflag:s4], $0x0  }
0x19: {  	s7 =	sld [smem:$0x3F93]  }
0x1a: {  	s8 =	sadd.s32 $0xFFFFE003, lr  }
0x1b: {  	s9 =	sadd.s32 $0xFFFFFEF7, lr;
	s5 =	simm.s32 $0xFFFFFFFF;
	p2 =	slt.u32 s8, $0xFFFFF086  }
0x1c: {  	p1 =	slt.u32 s9, $0xF7A;
	s5 =	simm.s32 @!p2 $0x0  }
0x1d: {  	s5 =	simm.s32 @p1 $0x1;
	p0 =	seq.s32 s7, s2  }
0x1e: {  	s7 =	smul.u32 @!p0 $0xF7A, s2;
	p2 =	seq.s32 @!p0 s5, $0x0  }
0x1f: {  	s9 =	smul.u32 $0xF7A, s1;
	s8 =	simm.s32 @!p0 $0x1BF5;
	p2 =	por !p2, p0  }
0x20: {  	[sflag:s8] =	ssyncset.s32 @!p0 $0xFFFFF086;
	s6 =	sadd.s32 @!p0 s3, s7;
	s7 =	simm.s32 @!p0 $0x108  }
0x21: {  	s3 =	sadd.s32 s3, s9;
	s6 =	sadd.s32 @!p0 $0x88, s6;
	s7 =	simm.s32 @p2 $0x1082  }
0x22: {  	[simem:s7], [sflag:s8] =	dma.local @!p0 [hbm:s6], $0xF7A  }
0x23: {  	s9 =	sor.u32 $0xD0000000, s2;
	s6 =	simm.s32 $0x108;
	_ =	swait.ge @!p0 [sflag:s8], $0x0  }
0x24: {  	s3 =	sadd.s32 $0x88, s3;
	s6 =	simm.s32 @!p1 $0x1082;
	[sflag:s4] =	ssyncset.s32 $0xFFFFF086  }
0x25: {  	[simem:s6], [sflag:s4] =	dma.local [hbm:s3], $0xF7A  }
0x26: {  	[smem:$0x3F93] =	sst s1;
	(tag) =	ssettag s2;
	_ =	strace s9  }
0x27: {  	s1 =	sld [smem:$0x3FA3]  }
0x28: {  	s2 =	sld [smem:$0x3FA4]  }
0x29: {  	s4 =	sld [smem:$0x3FA6]  }
0x2a: {  	p0 =	seq.s32 s5, $0x0;
	s5 =	sld [smem:$0x3FA7]  }
0x2b: {  	s6 =	sld [smem:$0x3FA8]  }
0x2c: {  	s7 =	sld [smem:$0x3FA9]  }
0x2d: {  	s3 =	simm.s32 $0x108;
	s8 =	sld [smem:$0x3FAA]  }
0x2e: {  	s3 =	simm.s32 @!p0 $0x1082;
	s9 =	sld [smem:$0x3FAB]  }
0x2f: {  	lr =	sadd.s32 s0, s3;
	s0 =	sld [smem:$0x3FA2]  }
0x30: {  	s3 =	sld [smem:$0x3FA5]  }
0x31: {  	[smem:$0x3FAE] =	sst s10  }
0x32: {  	s10 =	sld [smem:$0x3FAC];
	_ =	sdelay $0x3  }
0x33: {  	p0 =	seq.s32 s10, $0x1;
	s10 =	sld [smem:$0x3FAE];
	_ =	sdelay $0x3  }
0x34: {  	[smem:$0x3FAE] =	sst s10  }
0x35: {  	s10 =	sld [smem:$0x3FAD];
	_ =	sdelay $0x3  }
0x36: {  	p1 =	seq.s32 s10, $0x1;
	s10 =	sld [smem:$0x3FAE];
	_ =	sdelay $0x3  }
0x37: {  	[smem:$0x3FAE] =	sst s10  }
0x38: {  	s10 =	sld [smem:$0x3FAF]  }
0x39: {  	_ = 	snop;
	(pc) =	sbr.ind lr, $3  }
0x3a: {  	_ = 	snop  }
0x3b: {  	_ = 	snop  }
0x3c: {  	p2 =	seq.s32 s10, $0x1;
	s10 =	sld [smem:$0x3FAE]  }
0x3d: {  	_ =	shalt  }
0x3e: {  	_ =	shalt  }
0x3f: {  	_ =	shalt  }
0x40: {  	_ =	shalt  }
0x41: {  	_ =	shalt  }
0x42: {  	_ =	shalt  }
0x43: {  	_ =	shalt  }
0x44: {  	_ =	shalt  }
0x45: {  	_ =	shalt  }
0x46: {  	_ =	shalt  }
0x47: {  	_ =	shalt  }
0x48: {  	_ =	shalt  }
0x49: {  	_ =	shalt  }
0x4a: {  	_ =	shalt  }
0x4b: {  	_ =	shalt  }
0x4c: {  	_ =	shalt  }
0x4d: {  	_ =	shalt  }
0x4e: {  	_ =	shalt  }
0x4f: {  	_ =	shalt  }
0x50: {  	_ =	shalt  }
0x51: {  	_ =	shalt  }
0x52: {  	_ =	shalt  }
0x53: {  	_ =	shalt  }
0x54: {  	_ =	shalt  }
0x55: {  	_ =	shalt  }
0x56: {  	_ =	shalt  }
0x57: {  	_ =	shalt  }
0x58: {  	_ =	shalt  }
0x59: {  	_ =	shalt  }
0x5a: {  	_ =	shalt  }
0x5b: {  	_ =	shalt  }
0x5c: {  	_ =	shalt  }
0x5d: {  	_ =	shalt  }
0x5e: {  	_ =	shalt  }
0x5f: {  	_ =	shalt  }
0x60: {  	_ =	shalt  }
0x61: {  	_ =	shalt  }
0x62: {  	_ =	shalt  }
0x63: {  	_ =	shalt  }
0x64: {  	_ =	shalt  }
0x65: {  	_ =	shalt  }
0x66: {  	_ =	shalt  }
0x67: {  	_ =	shalt  }
0x68: {  	_ =	shalt  }
0x69: {  	_ =	shalt  }
0x6a: {  	_ =	shalt  }
0x6b: {  	_ =	shalt  }
0x6c: {  	_ =	shalt  }
0x6d: {  	_ =	shalt  }
0x6e: {  	_ =	shalt  }
0x6f: {  	_ =	shalt  }
0x70: {  	_ =	shalt  }
0x71: {  	_ =	shalt  }
0x72: {  	_ =	shalt  }
0x73: {  	_ =	shalt  }
0x74: {  	_ =	shalt  }
0x75: {  	_ =	shalt  }
0x76: {  	_ =	shalt  }
0x77: {  	_ =	shalt  }
0x78: {  	_ =	shalt  }
0x79: {  	_ =	shalt  }
0x7a: {  	_ =	shalt  }
0x7b: {  	_ =	shalt  }
0x7c: {  	_ =	shalt  }
0x7d: {  	_ =	shalt  }
0x7e: {  	_ =	shalt  }
0x7f: {  	_ =	shalt  }
0x80: {  	_ =	shalt  }
0x81: {  	_ =	shalt  }
0x82: {  	_ =	shalt  }
0x83: {  	_ =	shalt  }
0x84: {  	_ =	shalt  }
0x85: {  	_ =	shalt  }
0x86: {  	_ =	shalt  }
0x87: {  	_ =	shalt  }
.Lfunc_end0:
.L_simem_size_0:
called_computation_lowered:
.L_overlay_start_0:
0x88: {  	s2 =	sld [smem:$0x3FD9]  }
0x89: {  	s3 =	sld [smem:$0x3FFE];
	_ =	sdelay $0x1  }
0x8a: {  	s1 =	srdreg.scid  }
0x8b: {  	s0 =	sand.u32 $0x1, s1  }
0x8c: {  	s17 =	sshll.u32 s0, $0xA;
	s2 =	sadd.s32 s3, s2  }
0x8d: {  	s2 =	sadd.s32 s2, s17  }
0x8e: {  	[smem:$0x3FBA] =	sst s2  }
0x8f: {  	_ = 	snop  }
0x90: {  	s2 =	sld [smem:$0x3FD0];
	(tm) =	ssettm $0x1  }
0x91: {  	s18 =	sld [smem:$0x3FFB];
	_ =	sdelay $0x3  }
0x92: {  	_ =	strace s18  }
0x93: {  	s3 =	sld [smem:$0x3FFC];
	_ =	sdelay $0x3  }
0x94: {  	_ =	strace s3  }
0x95: {  	s3 =	sld [smem:$0x3FFD];
	_ =	sdelay $0x3  }
0x96: {  	_ =	strace s3  }
0x97: {  	_ =	strace $0x8FFFFFFF  }
0x98: {  	s19 =	sld [smem:$0x3FDB];
	_ =	sdelay $0x1  }
0x99: {  	s4 =	simm.s32 $_scs_section_size  }
0x9a: {  	s5 =	simm.s32 $_size__tile_overlayer_lowered;
	s6 =	simm.s32 $_tile_overlayer_lowered  }
0x9b: {  	s22 =	simm.s32 $0x1BFF;
	s21 =	sshll.u32 s6, $0x1;
	s3 =	sadd.s32 s4, s19  }
0x9c: {  	s7 =	simm.s32 $0x0;
	s20 =	sshll.u32 s5, $0x1;
	s5 =	sadd.s32 s21, s3  }
0x9d: {  	[timem:s7], [sflag:s22] =	dma.local [hbm:s5], s20  }
0x9e: {  	_ =	swait.ge [sflag:s22], s20  }
0x9f: {  	s4 =	ssub.s32 $0x0, s20;
	[sflag:s22] =	ssyncset.done $0x0  }
0xa0: {  	[sflag:s22] =	ssyncadd.s32 s4;
	_ =	sdelay $0x1  }
0xa1: {  	s23 =	simm.s32 $0x1B8B  }
0xa2: {  	_ =	swait.ge [sflag:s23], $0x1  }
0xa3: {  	[sflag:s23] =	ssyncset.done $0x0  }
0xa4: {  	s25 =	simm.s32 $0x1B8E;
	s24 =	sld [smem:$0x3FFE];
	[sflag:s23] =	ssyncadd.s32 $0xFFFFFFFF  }
0xa5: {  	s26 =	simm.s32 $execute0_lowered;
	[smem:$0x3FD2] =	sst s25  }
0xa6: {  	s5 =	sshll.u32 s26, $0x1;
	_ =	strace $0x80000046;
	[dreg:$0x1] =	wrdreg $0xFFFFFFFF  }
0xa7: {  	s28 =	simm.s32 $_size_execute0_lowered;
	s3 =	sadd.s32 s3, s5;
	[dreg:$0x0] =	wrdreg $0x0  }
0xa8: {  	s5 =	sshll.u32 s28, $0x1;
	[dreg:$0x2] =	wrdreg s3  }
0xa9: {  	[dreg:$0x3] =	wrdreg s5  }
0xaa: {  	[dreg:$0x4] =	wrdreg $0xC0  }
0xab: {  	_ =	task [dreg:s7], $0x5FFFF  }
0xac: {  	[dreg:$0x1] =	wrdreg $0xFFFFFFFF  }
0xad: {  	[dreg:$0x0] =	wrdreg $0x60  }
0xae: {  	[dreg:$0x2] =	wrdreg s24  }
0xaf: {  	[dreg:$0x3] =	wrdreg s2  }
0xb0: {  	[dreg:$0x4] =	wrdreg $0x60E00  }
0xb1: {  	[dreg:$0x5] =	wrdreg $0x9  }
0xb2: {  	_ =	task.clear_ibuf [dreg:s7], $0x6FFFF;
	_ =	strace $0x90000046  }
0xb3: {  	s29 =	simm.s32 $0x9;
	_ =	strace $0x80000048  }
0xb4: {  	_ =	swait.ge [sflag:s29], $0x1  }
0xb5: {  	[sflag:s29] =	ssyncadd.s32 $0xFFFFFFFF  }
0xb6: {  	_ =	strace $0x90000048  }
0xb7: {  	_ =	sfence  }
0xb8: {  	s30 =	sld [smem:$0x0];
	_ =	sdelay $0x2  }
0xb9: {  	s31 =	sshll.u32 s1, $0xD;
	s1 =	sshrl.u32 s1, $0x2  }
0xba: {  	s3 =	sand.u32 $0x4000, s31;
	s1 =	sadd.s32 s1, s30  }
0xbb: {  	s0 =	sor.u32 s3, s0;
	s1 =	sshll.u32 s1, $0x11  }
0xbc: {  	s0 =	sor.u32 s1, s0  }
0xbd: {  	s0 =	sadd.s32 $0x8F2B, s0  }
0xbe: {  	[sflag:s0] =	ssyncadd.remote.s32 $0x1  }
0xbf: {  	_ =	sfence.sel $0xFFFF  }
0xc0: {  	[dreg:$0x0] =	wrdreg $0xFFFFFFFF;
	(pc) =	sbr.abs _section_cstart, $3  }
0xc1: {  	[dreg:$0x1] =	wrdreg $0xFFFFFFFF  }
0xc2: {  	_ =	task.clear_ibuf [dreg:s7], $0x2FFFF;
	_ =	strace $0x9FFFFFFF  }
0xc3: {  	(tm) =	ssettm $0x7FFFFFFF  }
tec
execute0_lowered:
.L_overlay_start_1:
0x0: {  	(tag) =	ssettag $0x1  }
0x1: {  	s9 =	rddreg [dreg:$0x0]  }
0x2: {  	s1 =	rddreg [dreg:$0x1]  }
0x3: {  	s2 =	rddreg [dreg:$0x2]  }
0x4: {  	s3 =	srdreg.scid;
	s0 =	rddreg [dreg:$0x3]  }
0x5: {  	s4 =	simm.s32 $0x0;
	s15 =	simm.s32 $0x28;
	s16 =	simm.s32 $0x50  }
0x6: {  	s17 =	simm.s32 $0x1450;
	s18 =	simm.s32 $0x2850;
	s19 =	simm.s32 $0x1  }
0x7: {  	s20 =	simm.s32 $0x2;
	s21 =	simm.s32 $0x3;
	s22 =	simm.s32 $0x3C50  }
0x8: {  	s23 =	simm.s32 $0x0;
	s10 =	sand.u32 $0x1, s3;
	s3 =	stileid.u32  }
0x9: {  	[smem:$0x7FF] =	sst s4;
	s5 =	sadd.s32 $0x27E00, s9;
	s6 =	sadd.s32 $0xC00, s9  }
0xa: {  	s7 =	sadd.s32 $0x58E00, s9;
	s8 =	sadd.s32 $0x4F000, s9;
	s11 =	smul.u32 $0x15F900, s10  }
0xb: {  	s12 =	smul.u32 $0x15F90, s3;
	_ =	strace $0x80000047;
	s26 =	ssub.s32 $0x2, s10  }
0xc: {  	s13 =	smul.u32 $0x57E40, s3;
	s29 =	sshll.u32 s3, $0x1;
	s28 =	sshrl.u32 s26, $0x1  }
0xd: {  	s30 =	sor.u32 s10, s29;
	s11 =	sadd.s32 s12, s11;
	s12 =	ssub.s32 s26, s28  }
0xe: {  	v0 =	vimm.f32 $0.0e+00;
	vm0 =	vmmov $0x1;
	vm1 =	vcmask $0x320;
	s31 =	sshrl.u32 s13, $0x2;
	s13 =	simm.s32 $0x52D0;
	s11 =	sshrl.u32 s11, $0x3  }
0xf: {  	vm2 =	vcmask $0x720;
	vm3 =	vcmask $0xB20;
	vm4 =	vcmask $0xF20;
	s10 =	smax.u32 s12, $0x1;
	s14 =	sadd.s32 s11, s9;
	s9 =	smul.u32 $0x2710, s30  }
0x10: {  	vm5 =	vcmask $0x1320;
	vm6 =	vcmask $0x1720;
	vm7 =	vcmask $0x1B20;
	s11 =	sadd.s32 s31, s2;
	s12 =	sadd.s32 $0x62C00, s14;
	s14 =	simm.s32 $0x4  }
.LBB2_1:
0x11: {  	s24 =	smul.u32 $0x39, s4;
	_ =	sdelay $0x1  }
0x12: {  	s24 =	sshrl.u32 s24, $0x9  }
0x13: {  	s25 =	sand.u32 $0x7F, s24  }
0x14: {  	s24 =	simm.s32 $0x1;
	s26 =	smul.u32 $0x9, s25  }
0x15: {  	s28 =	smul.u32 $0x39, s24  }
0x16: {  	s30 =	smul.u32 $0x240, s25;
	s26 =	ssub.s32 $0x0, s26  }
0x17: {  	s25 =	simm.s32 $0x2;
	s31 =	sand.u32 $0xFF, s26  }
0x18: {  	s29 =	sshrl.u32 s28, $0x9;
	s26 =	sshrl.u32 s30, $0x2;
	s28 =	sshll.u32 s31, $0x4  }
.LBB2_2:
0x19: {  	s30 =	smul.u32 $0x39, s25;
	s29 =	sand.u32 $0x7F, s29  }
0x1a: {  	s26 =	sadd.s32 s28, s26;
	p0 =	sne.s32 s25, $0xE0;
	s28 =	smul.u32 $0x9, s29  }
.Ltmp0:
0x1b: {  	[tilespmem:s26+$0x52D0] =	vst v0;
	(pc) =	sbr.rel @p0 .LBB2_2-.Ltmp0, $4  }
0x1c: {  	s26 =	smul.u32 $0x240, s29;
	s29 =	smov.u32 s25  }
0x1d: {  	s25 =	sadd.s32 $0x1, s25;
	s24 =	ssub.s32 s24, s28  }
0x1e: {  	s28 =	sand.u32 $0xFF, s24;
	s24 =	smov.u32 s29  }
0x1f: {  	s26 =	sshrl.u32 s26, $0x2;
	s29 =	sshrl.u32 s30, $0x9;
	s28 =	sshll.u32 s28, $0x4  }
0x20: {  	s25 =	sand.u32 $0x7F, s29  }
0x21: {  	s29 =	smul.u32 $0x9, s25;
	_ =	sdelay $0x1  }
0x22: {  	s25 =	smul.u32 $0x240, s25;
	s24 =	ssub.s32 s24, s29  }
0x23: {  	s24 =	sand.u32 $0xFF, s24  }
0x24: {  	s26 =	sadd.s32 s28, s26;
	s25 =	sshrl.u32 s25, $0x2;
	s24 =	sshll.u32 s24, $0x4  }
0x25: {  	[tilespmem:s26+$0x52D0] =	vst v0;
	s24 =	sadd.s32 s24, s25  }
0x26: {  	s31 =	sadd.s32 $0x0, s11;
	[tilespmem:s24+$0x52D0] =	vst v0  }
0x27: {  	[spmem:s31] =	stream.linear.scatter [tilespmem:s13], [sflag:$0x4], $0xE10, $0x38;
	[tilespmem:$0x1C070] =	vst v63  }
0x28: {  	s24 =	simm.s32 $0x3840;
	_ =	swait.ge [sflag:s14], $0xE10  }
.LBB2_4:
0x29: {  	s25 =	sshra.s32 s24, $0x2;
	[sflag:s14] =	ssyncset.done $0x0;
	p0 =	sne.s32 s24, $0x54600  }
.Ltmp1:
0x2a: {  	s25 =	sadd.s32 s25, s11;
	[sflag:s14] =	ssyncadd.s32 $0xFFFFF1F0;
	(pc) =	sbr.rel @p0 .LBB2_4-.Ltmp1, $3  }
0x2b: {  	[spmem:s25] =	stream.linear.scatter [tilespmem:s13], [sflag:$0x4], $0xE10, $0x38;
	[tilespmem:$0x1C070] =	vst v63  }
0x2c: {  	s24 =	sadd.s32 $0x3840, s24;
	_ =	sdelay $0x1  }
0x2d: {  	_ =	swait.ge [sflag:s14], $0xE10  }
0x2e: {  	[sflag:s14] =	ssyncset.done $0x0  }
0x2f: {  	[sflag:s14] =	ssyncadd.s32 $0xFFFFF1F0  }
0x30: {  	s24 =	simm.s32 $0x0;
	s25 =	simm.s32 $0x0;
	[bflag:$0x0] =	sbarrier.arrive $0xFFFF  }
.LBB2_6:
0x31: {  	s26 =	smul.u32 $0x28, s25;
	_ =	sdelay $0x1  }
0x32: {  	s26 =	sadd.s32 s9, s26  }
0x33: {  	s26 =	sshrl.u32 s26, $0x3  }
0x34: {  	s28 =	sadd.s32 s7, s26  }
0x35: {  	[tilespmem:s24], [sflag:$0x4] =	stream.linear.gather [hbm4b:s28+s24], $0x28, $0x38;
	[tilespmem:$0x1C070] =	vst v63  }
0x36: {  	_ =	swait.ge [sflag:s14], $0x28  }
0x37: {  	[sflag:s14] =	ssyncset.done $0x0  }
0x38: {  	s26 =	sadd.s32 s8, s26;
	[sflag:s14] =	ssyncadd.s32 $0xFFFFFFD8  }
0x39: {  	[tilespmem:s15], [sflag:$0x4] =	stream.linear.gather [hbm4b:s26+s24], $0x28, $0x38;
	[tilespmem:$0x1C070] =	vst v63  }
0x3a: {  	_ =	swait.ge [sflag:s14], $0x28  }
0x3b: {  	[sflag:s14] =	ssyncset.done $0x0  }
0x3c: {  	[sflag:s14] =	ssyncadd.s32 $0xFFFFFFD8  }
0x3d: {  	[tilespmem:s16], [sflag:$0x1] =	stream.indirect.gather [hbm4b:s5+s15], $0x80, s15, s15, $0xb8;
	[tilespmem:$0x1C070] =	vst v63  }
0x3e: {  	_ = 	snop  }
0x3f: {  	[tilespmem:s17], [sflag:$0x2] =	stream.indirect.gather [hbm4b:s6+s15], $0x80, s24, s15, $0xb8;
	[tilespmem:$0x1C070] =	vst v63  }
0x40: {  	_ = 	snop  }
0x41: {  	[tilespmem:s18], [sflag:$0x3] =	stream.indirect.gather [hbm4b:s1+s15], $0x80, s24, s15, $0xb8;
	[tilespmem:$0x1C070] =	vst v63  }
0x42: {  	_ =	swait.ge [sflag:s19], $0x1400  }
0x43: {  	[sflag:s19] =	ssyncset.done $0x0  }
0x44: {  	[sflag:s19] =	ssyncadd.s32 $0xFFFFEC00  }
0x45: {  	_ =	swait.ge [sflag:s20], $0x1400  }
0x46: {  	[sflag:s20] =	ssyncset.done $0x0  }
0x47: {  	[sflag:s20] =	ssyncadd.s32 $0xFFFFEC00  }
0x48: {  	_ =	swait.ge [sflag:s21], $0x1400  }
0x49: {  	[sflag:s21] =	ssyncset.done $0x0  }
0x4a: {  	s28 =	simm.s32 $0x0;
	s26 =	simm.s32 $0x3C90;
	[sflag:s21] =	ssyncadd.s32 $0xFFFFEC00  }
.LBB2_7:
0x4b: {  	s29 =	sshra.s32 s28, $0x2  }
0x4c: {  	v1 =	vld [tilespmem:s29+$0x50]  }
0x4d: {  	v2 =	vld [tilespmem:s29+$0x1450];
	_ =	sdelay $0x4  }
0x4e: {  	v1 =	vmul.f32 v2, v1;
	_ =	sdelay $0x1  }
0x4f: {  	(xrf2) =	vadd.scan.msk.f32 $0xffff, v1;
	_ =	sdelay $0x9  }
0x50: {  	v1, _, _ =	vpop (xrf2)  }
0x51: {  	v1 =	vmul.f32 $1.442695020e+00, v1;
	_ =	sdelay $0x1  }
0x52: {  	v1 =	vbroadcast v1, $0xF;
	_ =	sdelay $0x1  }
0x53: {  	(erf) = vpow2.f32 v1;
	_ =	sdelay $0x4  }
0x54: {  	v1 =	vld [tilespmem:s29+$0x2850];
	_ =	sdelay $0x3  }
0x55: {  	v2 =	vpop (erf)  }
0x56: {  	v1 =	vmul.f32 v2, v1;
	_ =	sdelay $0x1  }
0x57: {  	[tilespmem:s26+$0xFFFFFFC0] =	vst v1  }
0x58: {  	v1 =	vld [tilespmem:s29+$0x60]  }
0x59: {  	v3 =	vld [tilespmem:s29+$0x1460];
	_ =	sdelay $0x4  }
0x5a: {  	v1 =	vmul.f32 v3, v1;
	_ =	sdelay $0x1  }
0x5b: {  	(xrf2) =	vadd.scan.msk.f32 $0xffff, v1;
	_ =	sdelay $0x9  }
0x5c: {  	v1, _, _ =	vpop (xrf2)  }
0x5d: {  	v1 =	vmul.f32 $1.442695020e+00, v1;
	_ =	sdelay $0x1  }
0x5e: {  	v1 =	vbroadcast v1, $0xF;
	_ =	sdelay $0x1  }
0x5f: {  	(erf) = vpow2.f32 v1;
	_ =	sdelay $0x4  }
0x60: {  	v1 =	vld [tilespmem:s29+$0x2860];
	_ =	sdelay $0x3  }
0x61: {  	v3 =	vpop (erf)  }
0x62: {  	v1 =	vmul.f32 v3, v1;
	_ =	sdelay $0x1  }
0x63: {  	[tilespmem:s26+$0xFFFFFFD0] =	vst v1  }
0x64: {  	v1 =	vld [tilespmem:s29+$0x70]  }
0x65: {  	v4 =	vld [tilespmem:s29+$0x1470];
	_ =	sdelay $0x4  }
0x66: {  	v1 =	vmul.f32 v4, v1;
	_ =	sdelay $0x1  }
0x67: {  	(xrf2) =	vadd.scan.msk.f32 $0xffff, v1;
	_ =	sdelay $0x9  }
0x68: {  	v1, _, _ =	vpop (xrf2)  }
0x69: {  	v1 =	vmul.f32 $1.442695020e+00, v1;
	_ =	sdelay $0x1  }
0x6a: {  	v1 =	vbroadcast v1, $0xF;
	_ =	sdelay $0x1  }
0x6b: {  	(erf) = vpow2.f32 v1;
	_ =	sdelay $0x4  }
0x6c: {  	v1 =	vld [tilespmem:s29+$0x2870];
	_ =	sdelay $0x3  }
0x6d: {  	v59 =	vpop (erf)  }
0x6e: {  	v1 =	vmul.f32 v59, v1;
	_ =	sdelay $0x1  }
0x6f: {  	[tilespmem:s26+$0xFFFFFFE0] =	vst v1  }
0x70: {  	v1 =	vld [tilespmem:s29+$0x80]  }
0x71: {  	v5 =	vld [tilespmem:s29+$0x1480];
	_ =	sdelay $0x4  }
0x72: {  	v1 =	vmul.f32 v5, v1;
	_ =	sdelay $0x1  }
0x73: {  	(xrf2) =	vadd.scan.msk.f32 $0xffff, v1;
	_ =	sdelay $0x9  }
0x74: {  	v1, _, _ =	vpop (xrf2)  }
0x75: {  	v1 =	vmul.f32 $1.442695020e+00, v1;
	_ =	sdelay $0x1  }
0x76: {  	v1 =	vbroadcast v1, $0xF;
	_ =	sdelay $0x1  }
0x77: {  	(erf) = vpow2.f32 v1;
	_ =	sdelay $0x4  }
0x78: {  	v1 =	vld [tilespmem:s29+$0x2880];
	_ =	sdelay $0x3  }
0x79: {  	v60 =	vpop (erf)  }
0x7a: {  	v1 =	vmul.f32 v60, v1;
	_ =	sdelay $0x1  }
0x7b: {  	[tilespmem:s26+$0xFFFFFFF0] =	vst v1  }
0x7c: {  	v1 =	vld [tilespmem:s29+$0x90]  }
0x7d: {  	v6 =	vld [tilespmem:s29+$0x1490];
	_ =	sdelay $0x4  }
0x7e: {  	v1 =	vmul.f32 v6, v1;
	_ =	sdelay $0x1  }
0x7f: {  	(xrf2) =	vadd.scan.msk.f32 $0xffff, v1;
	_ =	sdelay $0x9  }
0x80: {  	v1, _, _ =	vpop (xrf2)  }
0x81: {  	v1 =	vmul.f32 $1.442695020e+00, v1;
	_ =	sdelay $0x1  }
0x82: {  	v1 =	vbroadcast v1, $0xF;
	_ =	sdelay $0x1  }
0x83: {  	(erf) = vpow2.f32 v1;
	_ =	sdelay $0x4  }
0x84: {  	v1 =	vld [tilespmem:s29+$0x2890];
	_ =	sdelay $0x3  }
0x85: {  	v61 =	vpop (erf)  }
0x86: {  	v1 =	vmul.f32 v61, v1;
	_ =	sdelay $0x1  }
0x87: {  	[tilespmem:s26+$0x0] =	vst v1  }
0x88: {  	v1 =	vld [tilespmem:s29+$0xA0]  }
0x89: {  	v7 =	vld [tilespmem:s29+$0x14A0];
	_ =	sdelay $0x4  }
0x8a: {  	v1 =	vmul.f32 v7, v1;
	_ =	sdelay $0x1  }
0x8b: {  	(xrf2) =	vadd.scan.msk.f32 $0xffff, v1;
	_ =	sdelay $0x9  }
0x8c: {  	v1, _, _ =	vpop (xrf2)  }
0x8d: {  	v1 =	vmul.f32 $1.442695020e+00, v1;
	_ =	sdelay $0x1  }
0x8e: {  	v1 =	vbroadcast v1, $0xF;
	_ =	sdelay $0x1  }
0x8f: {  	(erf) = vpow2.f32 v1;
	_ =	sdelay $0x4  }
0x90: {  	v1 =	vld [tilespmem:s29+$0x28A0];
	_ =	sdelay $0x3  }
0x91: {  	v62 =	vpop (erf)  }
0x92: {  	v1 =	vmul.f32 v62, v1;
	_ =	sdelay $0x1  }
0x93: {  	[tilespmem:s26+$0x10] =	vst v1  }
0x94: {  	v1 =	vld [tilespmem:s29+$0xB0]  }
0x95: {  	v8 =	vld [tilespmem:s29+$0x14B0];
	_ =	sdelay $0x4  }
0x96: {  	v1 =	vmul.f32 v8, v1;
	_ =	sdelay $0x1  }
0x97: {  	(xrf2) =	vadd.scan.msk.f32 $0xffff, v1;
	_ =	sdelay $0x9  }
0x98: {  	v1, _, _ =	vpop (xrf2)  }
0x99: {  	v1 =	vmul.f32 $1.442695020e+00, v1;
	_ =	sdelay $0x1  }
0x9a: {  	v1 =	vbroadcast v1, $0xF;
	_ =	sdelay $0x1  }
0x9b: {  	(erf) = vpow2.f32 v1;
	_ =	sdelay $0x4  }
0x9c: {  	v1 =	vld [tilespmem:s29+$0x28B0];
	_ =	sdelay $0x3  }
0x9d: {  	v63 =	vpop (erf)  }
0x9e: {  	v1 =	vmul.f32 v63, v1;
	_ =	sdelay $0x1  }
0x9f: {  	[tilespmem:s26+$0x20] =	vst v1  }
0xa0: {  	v1 =	vld [tilespmem:s29+$0xC0]  }
0xa1: {  	v9 =	vld [tilespmem:s29+$0x14C0];
	_ =	sdelay $0x4  }
0xa2: {  	v1 =	vmul.f32 v9, v1;
	_ =	sdelay $0x1  }
0xa3: {  	(xrf2) =	vadd.scan.msk.f32 $0xffff, v1;
	_ =	sdelay $0x9  }
0xa4: {  	v1, _, _ =	vpop (xrf2)  }
0xa5: {  	v1 =	vmul.f32 $1.442695020e+00, v1;
	_ =	sdelay $0x1  }
0xa6: {  	v1 =	vbroadcast v1, $0xF;
	_ =	sdelay $0x1  }
0xa7: {  	(erf) = vpow2.f32 v1;
	_ =	sdelay $0x2  }
0xa8: {  	v1 =	vnsel vm0, $0x0, v2  }
0xa9: {  	v1 =	vsel vm1, v1, v3  }
0xaa: {  	v2 =	vld [tilespmem:s29+$0x28C0];
	v1 =	vsel vm2, v1, v59  }
0xab: {  	v1 =	vsel vm3, v1, v60  }
0xac: {  	p0 =	sne.s32 s28, $0x4E00;
	v1 =	vsel vm4, v1, v61  }
.Ltmp2:
0xad: {  	v1 =	vsel vm5, v1, v62;
	(pc) =	sbr.rel @p0 .LBB2_7-.Ltmp2, $4  }
0xae: {  	v1 =	vsel vm6, v1, v63;
	v3 =	vpop (erf)  }
0xaf: {  	v2 =	vmul.f32 v3, v2;
	v1 =	vsel vm7, v1, v3  }
0xb0: {  	[tilespmem:s26+$0x40] =	vst v1  }
0xb1: {  	s28 =	sadd.s32 $0x200, s28;
	[tilespmem:s26+$0x30] =	vst v2;
	s26 =	sadd.s32 $0x90, s26  }
0xb2: {  	s25 =	sadd.s32 $0x1, s25  }
0xb3: {  	p0 =	sne.s32 s25, $0xFA  }
.Ltmp3:
0xb4: {  	_ = 	snop;
	(pc) =	sbr.rel @p0 .LBB2_6-.Ltmp3, $4  }
0xb5: {  	[spmem:s2] =	stream.indirect.scatter.add.f32 [tilespmem:s22], [sflag:$0x4], $0x90, s15, s15, $0xb8;
	[tilespmem:$0x1C070] =	vst v63  }
0xb6: {  	_ =	swait.ge [sflag:s14], $0x1680  }
0xb7: {  	[sflag:s14] =	ssyncset.done $0x0  }
0xb8: {  	[sflag:s14] =	ssyncadd.s32 $0xFFFFE980  }
0xb9: {  	[bflag:$0x0] =	sbarrier.arrive $0xFFFF;
	s24 =	sshll.u32 s3, $0x6  }
0xba: {  	s25 =	sadd.s32 $0x0, s12;
	s26 =	sshrl.u32 s11, $0x3;
	s24 =	sor.u32 $0x1C04, s24  }
0xbb: {  	[hbm:s25], [sflag:s24] =	dma.local [spmem:s26], $0x1C2  }
0xbc: {  	s25 =	simm.s32 $0x1C2;
	s26 =	sadd.s32 $0xE10, s11;
	_ =	swait.ge [sflag:s14], $0x1C2  }
.LBB2_10:
0xbd: {  	s28 =	sadd.s32 s25, s12;
	[sflag:s14] =	ssyncset.done $0x0;
	p0 =	sne.s32 s25, $0x2A30  }
.Ltmp4:
0xbe: {  	s29 =	sshrl.u32 s26, $0x3;
	[sflag:s14] =	ssyncadd.s32 $0xFFFFFE3E;
	(pc) =	sbr.rel @p0 .LBB2_10-.Ltmp4, $3  }
0xbf: {  	[hbm:s28], [sflag:s24] =	dma.local [spmem:s29], $0x1C2  }
0xc0: {  	s25 =	sadd.s32 $0x1C2, s25;
	_ =	sdelay $0x1  }
0xc1: {  	s26 =	sadd.s32 $0xE10, s26;
	_ =	swait.ge [sflag:s14], $0x1C2  }
0xc2: {  	s23 =	sadd.s32 $0x1, s23  }
0xc3: {  	p0 =	sne.s32 s23, s10  }
.Ltmp5:
0xc4: {  	_ = 	snop;
	(pc) =	sbr.rel @p0 .LBB2_1-.Ltmp5, $3  }
0xc5: {  	_ =	sdelay $0x1  }
0xc6: {  	[sflag:s14] =	ssyncset.done $0x0  }
0xc7: {  	[sflag:s14] =	ssyncadd.s32 $0xFFFFFE3E  }
0xc8: {  	_ =	sfence.sel $0x180000  }
0xc9: {  	[bflag:$0x0] =	sbarrier.arrive $0xFFFF  }
0xca: {  	p0 =	sne.s32 s3, $0x0;
	_ =	strace $0x90000047  }
0xcb: {  	s0 =	sadd.s32 @!p0 $0x100000, s0;
	[bflag:$0x2] =	sbarrier.arrive $0xFFFF  }
0xcc: {  	[sflag:s0] =	ssyncadd.tile.s32 @!p0 $0x1;
	_ =	shalt  }
.Lfunc_end2:
_tile_overlayer_lowered:
.L_overlay_start_2:
0xcd: {  	(tag) =	ssettag $0x2  }
0xce: {  	s0 =	rddreg [dreg:$0x0];
	s2 =	stileid.u32  }
0xcf: {  	s1 =	rddreg [dreg:$0x1];
	p0 =	sne.s32 s2, $0x0  }
0xd0: {  	s3 =	rddreg [dreg:$0x2];
	[bflag:$0x3] =	sbarrier.arrive $0xFFFF;
	s2 =	simm.s32 @!p0 $0x1C04  }
0xd1: {  	[timem:s3], [sflag:s2] =	dma.local @!p0 [hbm:s0], s1  }
0xd2: {  	s0 =	simm.s32 @!p0 $0x4  }
0xd3: {  	_ =	swait.ge @!p0 [sflag:s0], s1  }
0xd4: {  	s1 =	ssub.s32 @!p0 $0x0, s1;
	[sflag:s0] =	ssyncset.done @!p0 $0x0  }
0xd5: {  	[sflag:s0] =	ssyncadd.s32 @!p0 s1  }
0xd6: {  	[bflag:$0x3] =	sbarrier.arrive $0xFFFF  }
0xd7: {  	_ =	shalt  }

</sc_bundles>
